<compile_context>
chip_gen: v7x
topology: tpu7x:2x2x1
jax: 0.10.2.dev20260603
libtpu: 0.0.44.dev20260713+nightly
codegen_flags: <defaults>
</compile_context>

<pallas_src>
import functools
import math

import jax
import jax.numpy as jnp
from jax import lax
from jax.experimental import pallas as pl
from jax.experimental.pallas import tpu as pltpu
from jax.experimental.pallas import tpu_sc as plsc


def _emb_call(B, D, scale):
    info = plsc.get_sparse_core_info()
    NC, NS, L = info.num_cores, info.num_subcores, info.num_lanes
    NW = NC * NS
    assert B % NW == 0
    b_per_w = B // NW
    C = 128
    assert b_per_w % C == 0
    n_chunks = b_per_w // C
    mesh = plsc.VectorSubcoreMesh(core_axis_name="c", subcore_axis_name="s")

    @functools.partial(
        pl.kernel,
        mesh=mesh,
        out_type=jax.ShapeDtypeStruct((B, D), jnp.float32),
        scratch_types=[
            pltpu.VMEM((b_per_w,), jnp.int32),
            pltpu.VMEM((C, D), jnp.float32),
            pltpu.SemaphoreType.DMA,
        ],
    )
    def emb(idx_hbm, table_hbm, out_hbm, idx_v, rows_v, sem):
        wid = lax.axis_index("s") * NC + lax.axis_index("c")
        base = wid * b_per_w
        pltpu.sync_copy(idx_hbm.at[pl.ds(base, b_per_w)], idx_v)
        s = jnp.float32(scale)

        def chunk_body(g, carry):
            pltpu.async_copy(
                table_hbm.at[idx_v.at[pl.ds(g * C, C)]], rows_v, sem
            ).wait()

            def row_body(r, c):
                for j in range(D // L):
                    rows_v[r, pl.ds(j * L, L)] = rows_v[r, pl.ds(j * L, L)] * s
                return c

            lax.fori_loop(0, C, row_body, 0)
            pltpu.sync_copy(rows_v, out_hbm.at[pl.ds(base + g * C, C)])
            return carry

        lax.fori_loop(0, n_chunks, chunk_body, 0)

    return emb


def kernel(x, table):
    V, D = table.shape
    B = x.size
    scale = math.sqrt(D)
    out = _emb_call(B, D, scale)(x.reshape(B), table)
    return out.reshape(*x.shape, D)

# --- scband reference (transcript-rebuilt; emitter-appended) ---
"""Pipeline reference for scband-embedding-3109556322547 (READ-ONLY COPY).

The authoritative reference and input builder live on the scoring server;
editing this copy changes nothing except your own understanding.
"""

import jax, jax.numpy as jnp
import numpy as np

VOCAB = 100000
D_MODEL = 512
SCALAR = float(np.sqrt(D_MODEL))

def setup_inputs(seed: int = 0) -> dict:
    key = jax.random.key(seed)
    k1, k2 = jax.random.split(key)
    x = jax.random.randint(k1, (1024, 200), 0, VOCAB, dtype=jnp.int32)
    # learned embedding table, init ~ N(0,1) like nn.Embedding default
    table = jax.random.normal(k2, (VOCAB, D_MODEL), dtype=jnp.float32)
    return {"x": x, "table": table}

def reference(x, table):
    # nn.Embedding lookup followed by sqrt(d_model) scaling
    emb = jnp.take(table, x, axis=0)
    return emb * SCALAR

if __name__ == "__main__":
    import jax
    _d = setup_inputs()
    print(jax.jit(kernel)(*tuple(_d.values())))

</pallas_src>

<mosaic_0001>
#map = affine_map<(d0, d1) -> (0)>
#map1 = affine_map<(d0, d1) -> (0, 0)>
module attributes {stable_mosaic.version = 14 : i64} {
  func.func @emb(%arg0: i32, %arg1: i32, %arg2: memref<204800xi32, #tpu.memory_space<hbm>>, %arg3: memref<100000x512xf32, #tpu.memory_space<hbm>>, %arg4: memref<204800x512xf32, #tpu.memory_space<hbm>>, %arg5: memref<6400xi32, #tpu.memory_space<vmem>>, %arg6: memref<128x512xf32, #tpu.memory_space<vmem>>, %arg7: memref<!tpu.dma_semaphore, #tpu.memory_space<semaphore_mem>>) attributes {dimension_semantics = [#tpu.dimension_semantics<core_parallel>, #tpu.dimension_semantics<subcore_parallel>], iteration_bounds = array<i64: 2, 16>, scalar_prefetch = 0 : i64, scratch_operands = 3 : i64, tpu.core_type = #tpu.core_type<sc_vector_subcore>, window_params = [{transform_indices = #map}, {transform_indices = #map1}, {transform_indices = #map1}]} {
    %mul3A = arith.constant 2 : i32
    %mul3A_0 = arith.muli %arg1, %mul3A : i32
    %add3A = arith.addi %mul3A_0, %arg0 : i32
    %mul3A_1 = arith.constant 6400 : i32
    %mul3A_2 = arith.muli %add3A, %mul3A_1 : i32
    "tpu.region"() ({
      %run_scoped3A = tpu.sem_alloc : memref<!tpu.dma_semaphore, #tpu.memory_space<semaphore_mem>>
      %dma_start3A = tpu.memref_slice %arg2[%mul3A_2] : memref<204800xi32, #tpu.memory_space<hbm>> -> memref<6400xi32, #tpu.memory_space<hbm>>
      %dma_start3A_9 = tpu.memref_slice %arg2[%mul3A_2] : memref<204800xi32, #tpu.memory_space<hbm>> -> memref<6400xi32, #tpu.memory_space<hbm>>
      tpu.enqueue_dma source(%dma_start3A_9 : memref<6400xi32, #tpu.memory_space<hbm>>) target(%arg5 : memref<6400xi32, #tpu.memory_space<vmem>>) target_semaphore(%run_scoped3A : memref<!tpu.dma_semaphore, #tpu.memory_space<semaphore_mem>>)
      %dma_wait3A = tpu.memref_slice %arg2[%mul3A_2] : memref<204800xi32, #tpu.memory_space<hbm>> -> memref<6400xi32, #tpu.memory_space<hbm>>
      %dma_wait3A_10 = tpu.memref_slice %arg2[%mul3A_2] : memref<204800xi32, #tpu.memory_space<hbm>> -> memref<6400xi32, #tpu.memory_space<hbm>>
      tpu.wait_dma2 semaphore(%run_scoped3A : memref<!tpu.dma_semaphore, #tpu.memory_space<semaphore_mem>>) src(%dma_wait3A_10 : memref<6400xi32, #tpu.memory_space<hbm>>) dst(%arg5 : memref<6400xi32, #tpu.memory_space<vmem>>)
      tpu.yield
    }) : () -> ()
    %scan3A = arith.constant 0 : i32
    %scan3A_3 = arith.constant 22.6274166 : f32
    %scan3A_4 = arith.constant 0 : i32
    %scan3A_5 = arith.constant 50 : i32
    %scan3A_6 = arith.addi %scan3A_4, %scan3A_5 : i32
    %scan3A_7 = arith.constant 1 : i32
    scf.for %scan3A_9 = %scan3A_4 to %scan3A_6 step %scan3A_7  : i32 {
      %mul3A_10 = arith.constant 128 : i32
      %mul3A_11 = arith.muli %scan3A_9, %mul3A_10 : i32
      %dma_start3A = tpu.memref_slice %arg5[%mul3A_11] : memref<6400xi32, #tpu.memory_space<vmem>> -> memref<128xi32, #tpu.memory_space<vmem>>
      %dma_start3A_12 = arith.constant 0 : i32
      %dma_start3A_13 = arith.constant 0 : i32
      %dma_start3A_14 = tpu.memref_slice %arg3[%dma_start3A_12, %dma_start3A_13] : memref<100000x512xf32, #tpu.memory_space<hbm>> -> memref<100000x512xf32, #tpu.memory_space<hbm>>
      tpu.enqueue_indirect_dma source(%dma_start3A_14 : memref<100000x512xf32, #tpu.memory_space<hbm>>) target(%arg6 : memref<128x512xf32, #tpu.memory_space<vmem>>) offsets(%dma_start3A : memref<128xi32, #tpu.memory_space<vmem>>) semaphore(%arg7 : memref<!tpu.dma_semaphore, #tpu.memory_space<semaphore_mem>>)
      %dma_wait3A = tpu.memref_slice %arg5[%mul3A_11] : memref<6400xi32, #tpu.memory_space<vmem>> -> memref<128xi32, #tpu.memory_space<vmem>>
      %dma_wait3A_15 = arith.constant 0 : i32
      %dma_wait3A_16 = arith.constant 0 : i32
      %dma_wait3A_17 = tpu.memref_slice %arg3[%dma_wait3A_15, %dma_wait3A_16] : memref<100000x512xf32, #tpu.memory_space<hbm>> -> memref<100000x512xf32, #tpu.memory_space<hbm>>
      tpu.wait_indirect_dma semaphore(%arg7 : memref<!tpu.dma_semaphore, #tpu.memory_space<semaphore_mem>>) src(%dma_wait3A_17 : memref<100000x512xf32, #tpu.memory_space<hbm>>) dst(%arg6 : memref<128x512xf32, #tpu.memory_space<vmem>>)
      %scan3A_18 = arith.constant 0 : i32
      %scan3A_19 = arith.constant 0 : i32
      %scan3A_20 = arith.constant 128 : i32
      %scan3A_21 = arith.addi %scan3A_19, %scan3A_20 : i32
      %scan3A_22 = arith.constant 1 : i32
      scf.for %scan3A_27 = %scan3A_19 to %scan3A_21 step %scan3A_22  : i32 {
        %get3A = arith.index_cast %scan3A_27 : i32 to index
        %get3A_28 = arith.constant 0 : index
        %get3A_29 = tpu.vector_load %arg6[%get3A, %get3A_28] {strides = array<i32>} : memref<128x512xf32, #tpu.memory_space<vmem>>, vector<1x16xf32>,
        %get3A_30 = vector.shape_cast %get3A_29 : vector<1x16xf32> to vector<16xf32>
        %mul3A_31 = vector.broadcast %scan3A_3 : f32 to vector<16xf32>
        %mul3A_32 = arith.mulf %get3A_30, %mul3A_31 : vector<16xf32>
        %swap3A = arith.index_cast %scan3A_27 : i32 to index
        %swap3A_33 = arith.constant 0 : index
        %swap3A_34 = tpu.vector_load %arg6[%swap3A, %swap3A_33] {strides = array<i32>} : memref<128x512xf32, #tpu.memory_space<vmem>>, vector<1x16xf32>,
        %swap3A_35 = vector.shape_cast %swap3A_34 : vector<1x16xf32> to vector<16xf32>
        %swap3A_36 = vector.shape_cast %mul3A_32 : vector<16xf32> to vector<1x16xf32>
        tpu.vector_store %arg6[%swap3A, %swap3A_33], %swap3A_36 {strides = array<i32>} : memref<128x512xf32, #tpu.memory_space<vmem>>, vector<1x16xf32>,
        %get3A_37 = arith.index_cast %scan3A_27 : i32 to index
        %get3A_38 = arith.constant 16 : index
        %get3A_39 = tpu.vector_load %arg6[%get3A_37, %get3A_38] {strides = array<i32>} : memref<128x512xf32, #tpu.memory_space<vmem>>, vector<1x16xf32>,
        %get3A_40 = vector.shape_cast %get3A_39 : vector<1x16xf32> to vector<16xf32>
        %mul3A_41 = vector.broadcast %scan3A_3 : f32 to vector<16xf32>
        %mul3A_42 = arith.mulf %get3A_40, %mul3A_41 : vector<16xf32>
        %swap3A_43 = arith.index_cast %scan3A_27 : i32 to index
        %swap3A_44 = arith.constant 16 : index
        %swap3A_45 = tpu.vector_load %arg6[%swap3A_43, %swap3A_44] {strides = array<i32>} : memref<128x512xf32, #tpu.memory_space<vmem>>, vector<1x16xf32>,
        %swap3A_46 = vector.shape_cast %swap3A_45 : vector<1x16xf32> to vector<16xf32>
        %swap3A_47 = vector.shape_cast %mul3A_42 : vector<16xf32> to vector<1x16xf32>
        tpu.vector_store %arg6[%swap3A_43, %swap3A_44], %swap3A_47 {strides = array<i32>} : memref<128x512xf32, #tpu.memory_space<vmem>>, vector<1x16xf32>,
        %get3A_48 = arith.index_cast %scan3A_27 : i32 to index
        %get3A_49 = arith.constant 32 : index
        %get3A_50 = tpu.vector_load %arg6[%get3A_48, %get3A_49] {strides = array<i32>} : memref<128x512xf32, #tpu.memory_space<vmem>>, vector<1x16xf32>,
        %get3A_51 = vector.shape_cast %get3A_50 : vector<1x16xf32> to vector<16xf32>
        %mul3A_52 = vector.broadcast %scan3A_3 : f32 to vector<16xf32>
        %mul3A_53 = arith.mulf %get3A_51, %mul3A_52 : vector<16xf32>
        %swap3A_54 = arith.index_cast %scan3A_27 : i32 to index
        %swap3A_55 = arith.constant 32 : index
        %swap3A_56 = tpu.vector_load %arg6[%swap3A_54, %swap3A_55] {strides = array<i32>} : memref<128x512xf32, #tpu.memory_space<vmem>>, vector<1x16xf32>,
        %swap3A_57 = vector.shape_cast %swap3A_56 : vector<1x16xf32> to vector<16xf32>
        %swap3A_58 = vector.shape_cast %mul3A_53 : vector<16xf32> to vector<1x16xf32>
        tpu.vector_store %arg6[%swap3A_54, %swap3A_55], %swap3A_58 {strides = array<i32>} : memref<128x512xf32, #tpu.memory_space<vmem>>, vector<1x16xf32>,
        %get3A_59 = arith.index_cast %scan3A_27 : i32 to index
        %get3A_60 = arith.constant 48 : index
        %get3A_61 = tpu.vector_load %arg6[%get3A_59, %get3A_60] {strides = array<i32>} : memref<128x512xf32, #tpu.memory_space<vmem>>, vector<1x16xf32>,
        %get3A_62 = vector.shape_cast %get3A_61 : vector<1x16xf32> to vector<16xf32>
        %mul3A_63 = vector.broadcast %scan3A_3 : f32 to vector<16xf32>
        %mul3A_64 = arith.mulf %get3A_62, %mul3A_63 : vector<16xf32>
        %swap3A_65 = arith.index_cast %scan3A_27 : i32 to index
        %swap3A_66 = arith.constant 48 : index
        %swap3A_67 = tpu.vector_load %arg6[%swap3A_65, %swap3A_66] {strides = array<i32>} : memref<128x512xf32, #tpu.memory_space<vmem>>, vector<1x16xf32>,
        %swap3A_68 = vector.shape_cast %swap3A_67 : vector<1x16xf32> to vector<16xf32>
        %swap3A_69 = vector.shape_cast %mul3A_64 : vector<16xf32> to vector<1x16xf32>
        tpu.vector_store %arg6[%swap3A_65, %swap3A_66], %swap3A_69 {strides = array<i32>} : memref<128x512xf32, #tpu.memory_space<vmem>>, vector<1x16xf32>,
        %get3A_70 = arith.index_cast %scan3A_27 : i32 to index
        %get3A_71 = arith.constant 64 : index
        %get3A_72 = tpu.vector_load %arg6[%get3A_70, %get3A_71] {strides = array<i32>} : memref<128x512xf32, #tpu.memory_space<vmem>>, vector<1x16xf32>,
        %get3A_73 = vector.shape_cast %get3A_72 : vector<1x16xf32> to vector<16xf32>
        %mul3A_74 = vector.broadcast %scan3A_3 : f32 to vector<16xf32>
        %mul3A_75 = arith.mulf %get3A_73, %mul3A_74 : vector<16xf32>
        %swap3A_76 = arith.index_cast %scan3A_27 : i32 to index
        %swap3A_77 = arith.constant 64 : index
        %swap3A_78 = tpu.vector_load %arg6[%swap3A_76, %swap3A_77] {strides = array<i32>} : memref<128x512xf32, #tpu.memory_space<vmem>>, vector<1x16xf32>,
        %swap3A_79 = vector.shape_cast %swap3A_78 : vector<1x16xf32> to vector<16xf32>
        %swap3A_80 = vector.shape_cast %mul3A_75 : vector<16xf32> to vector<1x16xf32>
        tpu.vector_store %arg6[%swap3A_76, %swap3A_77], %swap3A_80 {strides = array<i32>} : memref<128x512xf32, #tpu.memory_space<vmem>>, vector<1x16xf32>,
        %get3A_81 = arith.index_cast %scan3A_27 : i32 to index
        %get3A_82 = arith.constant 80 : index
        %get3A_83 = tpu.vector_load %arg6[%get3A_81, %get3A_82] {strides = array<i32>} : memref<128x512xf32, #tpu.memory_space<vmem>>, vector<1x16xf32>,
        %get3A_84 = vector.shape_cast %get3A_83 : vector<1x16xf32> to vector<16xf32>
        %mul3A_85 = vector.broadcast %scan3A_3 : f32 to vector<16xf32>
        %mul3A_86 = arith.mulf %get3A_84, %mul3A_85 : vector<16xf32>
        %swap3A_87 = arith.index_cast %scan3A_27 : i32 to index
        %swap3A_88 = arith.constant 80 : index
        %swap3A_89 = tpu.vector_load %arg6[%swap3A_87, %swap3A_88] {strides = array<i32>} : memref<128x512xf32, #tpu.memory_space<vmem>>, vector<1x16xf32>,
        %swap3A_90 = vector.shape_cast %swap3A_89 : vector<1x16xf32> to vector<16xf32>
        %swap3A_91 = vector.shape_cast %mul3A_86 : vector<16xf32> to vector<1x16xf32>
        tpu.vector_store %arg6[%swap3A_87, %swap3A_88], %swap3A_91 {strides = array<i32>} : memref<128x512xf32, #tpu.memory_space<vmem>>, vector<1x16xf32>,
        %get3A_92 = arith.index_cast %scan3A_27 : i32 to index
        %get3A_93 = arith.constant 96 : index
        %get3A_94 = tpu.vector_load %arg6[%get3A_92, %get3A_93] {strides = array<i32>} : memref<128x512xf32, #tpu.memory_space<vmem>>, vector<1x16xf32>,
        %get3A_95 = vector.shape_cast %get3A_94 : vector<1x16xf32> to vector<16xf32>
        %mul3A_96 = vector.broadcast %scan3A_3 : f32 to vector<16xf32>
        %mul3A_97 = arith.mulf %get3A_95, %mul3A_96 : vector<16xf32>
        %swap3A_98 = arith.index_cast %scan3A_27 : i32 to index
        %swap3A_99 = arith.constant 96 : index
        %swap3A_100 = tpu.vector_load %arg6[%swap3A_98, %swap3A_99] {strides = array<i32>} : memref<128x512xf32, #tpu.memory_space<vmem>>, vector<1x16xf32>,
        %swap3A_101 = vector.shape_cast %swap3A_100 : vector<1x16xf32> to vector<16xf32>
        %swap3A_102 = vector.shape_cast %mul3A_97 : vector<16xf32> to vector<1x16xf32>
        tpu.vector_store %arg6[%swap3A_98, %swap3A_99], %swap3A_102 {strides = array<i32>} : memref<128x512xf32, #tpu.memory_space<vmem>>, vector<1x16xf32>,
        %get3A_103 = arith.index_cast %scan3A_27 : i32 to index
        %get3A_104 = arith.constant 112 : index
        %get3A_105 = tpu.vector_load %arg6[%get3A_103, %get3A_104] {strides = array<i32>} : memref<128x512xf32, #tpu.memory_space<vmem>>, vector<1x16xf32>,
        %get3A_106 = vector.shape_cast %get3A_105 : vector<1x16xf32> to vector<16xf32>
        %mul3A_107 = vector.broadcast %scan3A_3 : f32 to vector<16xf32>
        %mul3A_108 = arith.mulf %get3A_106, %mul3A_107 : vector<16xf32>
        %swap3A_109 = arith.index_cast %scan3A_27 : i32 to index
        %swap3A_110 = arith.constant 112 : index
        %swap3A_111 = tpu.vector_load %arg6[%swap3A_109, %swap3A_110] {strides = array<i32>} : memref<128x512xf32, #tpu.memory_space<vmem>>, vector<1x16xf32>,
        %swap3A_112 = vector.shape_cast %swap3A_111 : vector<1x16xf32> to vector<16xf32>
        %swap3A_113 = vector.shape_cast %mul3A_108 : vector<16xf32> to vector<1x16xf32>
        tpu.vector_store %arg6[%swap3A_109, %swap3A_110], %swap3A_113 {strides = array<i32>} : memref<128x512xf32, #tpu.memory_space<vmem>>, vector<1x16xf32>,
        %get3A_114 = arith.index_cast %scan3A_27 : i32 to index
        %get3A_115 = arith.constant 128 : index
        %get3A_116 = tpu.vector_load %arg6[%get3A_114, %get3A_115] {strides = array<i32>} : memref<128x512xf32, #tpu.memory_space<vmem>>, vector<1x16xf32>,
        %get3A_117 = vector.shape_cast %get3A_116 : vector<1x16xf32> to vector<16xf32>
        %mul3A_118 = vector.broadcast %scan3A_3 : f32 to vector<16xf32>
        %mul3A_119 = arith.mulf %get3A_117, %mul3A_118 : vector<16xf32>
        %swap3A_120 = arith.index_cast %scan3A_27 : i32 to index
        %swap3A_121 = arith.constant 128 : index
        %swap3A_122 = tpu.vector_load %arg6[%swap3A_120, %swap3A_121] {strides = array<i32>} : memref<128x512xf32, #tpu.memory_space<vmem>>, vector<1x16xf32>,
        %swap3A_123 = vector.shape_cast %swap3A_122 : vector<1x16xf32> to vector<16xf32>
        %swap3A_124 = vector.shape_cast %mul3A_119 : vector<16xf32> to vector<1x16xf32>
        tpu.vector_store %arg6[%swap3A_120, %swap3A_121], %swap3A_124 {strides = array<i32>} : memref<128x512xf32, #tpu.memory_space<vmem>>, vector<1x16xf32>,
        %get3A_125 = arith.index_cast %scan3A_27 : i32 to index
        %get3A_126 = arith.constant 144 : index
        %get3A_127 = tpu.vector_load %arg6[%get3A_125, %get3A_126] {strides = array<i32>} : memref<128x512xf32, #tpu.memory_space<vmem>>, vector<1x16xf32>,
        %get3A_128 = vector.shape_cast %get3A_127 : vector<1x16xf32> to vector<16xf32>
        %mul3A_129 = vector.broadcast %scan3A_3 : f32 to vector<16xf32>
        %mul3A_130 = arith.mulf %get3A_128, %mul3A_129 : vector<16xf32>
        %swap3A_131 = arith.index_cast %scan3A_27 : i32 to index
        %swap3A_132 = arith.constant 144 : index
        %swap3A_133 = tpu.vector_load %arg6[%swap3A_131, %swap3A_132] {strides = array<i32>} : memref<128x512xf32, #tpu.memory_space<vmem>>, vector<1x16xf32>,
        %swap3A_134 = vector.shape_cast %swap3A_133 : vector<1x16xf32> to vector<16xf32>
        %swap3A_135 = vector.shape_cast %mul3A_130 : vector<16xf32> to vector<1x16xf32>
        tpu.vector_store %arg6[%swap3A_131, %swap3A_132], %swap3A_135 {strides = array<i32>} : memref<128x512xf32, #tpu.memory_space<vmem>>, vector<1x16xf32>,
        %get3A_136 = arith.index_cast %scan3A_27 : i32 to index
        %get3A_137 = arith.constant 160 : index
        %get3A_138 = tpu.vector_load %arg6[%get3A_136, %get3A_137] {strides = array<i32>} : memref<128x512xf32, #tpu.memory_space<vmem>>, vector<1x16xf32>,
        %get3A_139 = vector.shape_cast %get3A_138 : vector<1x16xf32> to vector<16xf32>
        %mul3A_140 = vector.broadcast %scan3A_3 : f32 to vector<16xf32>
        %mul3A_141 = arith.mulf %get3A_139, %mul3A_140 : vector<16xf32>
        %swap3A_142 = arith.index_cast %scan3A_27 : i32 to index
        %swap3A_143 = arith.constant 160 : index
        %swap3A_144 = tpu.vector_load %arg6[%swap3A_142, %swap3A_143] {strides = array<i32>} : memref<128x512xf32, #tpu.memory_space<vmem>>, vector<1x16xf32>,
        %swap3A_145 = vector.shape_cast %swap3A_144 : vector<1x16xf32> to vector<16xf32>
        %swap3A_146 = vector.shape_cast %mul3A_141 : vector<16xf32> to vector<1x16xf32>
        tpu.vector_store %arg6[%swap3A_142, %swap3A_143], %swap3A_146 {strides = array<i32>} : memref<128x512xf32, #tpu.memory_space<vmem>>, vector<1x16xf32>,
        %get3A_147 = arith.index_cast %scan3A_27 : i32 to index
        %get3A_148 = arith.constant 176 : index
        %get3A_149 = tpu.vector_load %arg6[%get3A_147, %get3A_148] {strides = array<i32>} : memref<128x512xf32, #tpu.memory_space<vmem>>, vector<1x16xf32>,
        %get3A_150 = vector.shape_cast %get3A_149 : vector<1x16xf32> to vector<16xf32>
        %mul3A_151 = vector.broadcast %scan3A_3 : f32 to vector<16xf32>
        %mul3A_152 = arith.mulf %get3A_150, %mul3A_151 : vector<16xf32>
        %swap3A_153 = arith.index_cast %scan3A_27 : i32 to index
        %swap3A_154 = arith.constant 176 : index
        %swap3A_155 = tpu.vector_load %arg6[%swap3A_153, %swap3A_154] {strides = array<i32>} : memref<128x512xf32, #tpu.memory_space<vmem>>, vector<1x16xf32>,
        %swap3A_156 = vector.shape_cast %swap3A_155 : vector<1x16xf32> to vector<16xf32>
        %swap3A_157 = vector.shape_cast %mul3A_152 : vector<16xf32> to vector<1x16xf32>
        tpu.vector_store %arg6[%swap3A_153, %swap3A_154], %swap3A_157 {strides = array<i32>} : memref<128x512xf32, #tpu.memory_space<vmem>>, vector<1x16xf32>,
        %get3A_158 = arith.index_cast %scan3A_27 : i32 to index
        %get3A_159 = arith.constant 192 : index
        %get3A_160 = tpu.vector_load %arg6[%get3A_158, %get3A_159] {strides = array<i32>} : memref<128x512xf32, #tpu.memory_space<vmem>>, vector<1x16xf32>,
        %get3A_161 = vector.shape_cast %get3A_160 : vector<1x16xf32> to vector<16xf32>
        %mul3A_162 = vector.broadcast %scan3A_3 : f32 to vector<16xf32>
        %mul3A_163 = arith.mulf %get3A_161, %mul3A_162 : vector<16xf32>
        %swap3A_164 = arith.index_cast %scan3A_27 : i32 to index
        %swap3A_165 = arith.constant 192 : index
        %swap3A_166 = tpu.vector_load %arg6[%swap3A_164, %swap3A_165] {strides = array<i32>} : memref<128x512xf32, #tpu.memory_space<vmem>>, vector<1x16xf32>,
        %swap3A_167 = vector.shape_cast %swap3A_166 : vector<1x16xf32> to vector<16xf32>
        %swap3A_168 = vector.shape_cast %mul3A_163 : vector<16xf32> to vector<1x16xf32>
        tpu.vector_store %arg6[%swap3A_164, %swap3A_165], %swap3A_168 {strides = array<i32>} : memref<128x512xf32, #tpu.memory_space<vmem>>, vector<1x16xf32>,
        %get3A_169 = arith.index_cast %scan3A_27 : i32 to index
        %get3A_170 = arith.constant 208 : index
        %get3A_171 = tpu.vector_load %arg6[%get3A_169, %get3A_170] {strides = array<i32>} : memref<128x512xf32, #tpu.memory_space<vmem>>, vector<1x16xf32>,
        %get3A_172 = vector.shape_cast %get3A_171 : vector<1x16xf32> to vector<16xf32>
        %mul3A_173 = vector.broadcast %scan3A_3 : f32 to vector<16xf32>
        %mul3A_174 = arith.mulf %get3A_172, %mul3A_173 : vector<16xf32>
        %swap3A_175 = arith.index_cast %scan3A_27 : i32 to index
        %swap3A_176 = arith.constant 208 : index
        %swap3A_177 = tpu.vector_load %arg6[%swap3A_175, %swap3A_176] {strides = array<i32>} : memref<128x512xf32, #tpu.memory_space<vmem>>, vector<1x16xf32>,
        %swap3A_178 = vector.shape_cast %swap3A_177 : vector<1x16xf32> to vector<16xf32>
        %swap3A_179 = vector.shape_cast %mul3A_174 : vector<16xf32> to vector<1x16xf32>
        tpu.vector_store %arg6[%swap3A_175, %swap3A_176], %swap3A_179 {strides = array<i32>} : memref<128x512xf32, #tpu.memory_space<vmem>>, vector<1x16xf32>,
        %get3A_180 = arith.index_cast %scan3A_27 : i32 to index
        %get3A_181 = arith.constant 224 : index
        %get3A_182 = tpu.vector_load %arg6[%get3A_180, %get3A_181] {strides = array<i32>} : memref<128x512xf32, #tpu.memory_space<vmem>>, vector<1x16xf32>,
        %get3A_183 = vector.shape_cast %get3A_182 : vector<1x16xf32> to vector<16xf32>
        %mul3A_184 = vector.broadcast %scan3A_3 : f32 to vector<16xf32>
        %mul3A_185 = arith.mulf %get3A_183, %mul3A_184 : vector<16xf32>
        %swap3A_186 = arith.index_cast %scan3A_27 : i32 to index
        %swap3A_187 = arith.constant 224 : index
        %swap3A_188 = tpu.vector_load %arg6[%swap3A_186, %swap3A_187] {strides = array<i32>} : memref<128x512xf32, #tpu.memory_space<vmem>>, vector<1x16xf32>,
        %swap3A_189 = vector.shape_cast %swap3A_188 : vector<1x16xf32> to vector<16xf32>
        %swap3A_190 = vector.shape_cast %mul3A_185 : vector<16xf32> to vector<1x16xf32>
        tpu.vector_store %arg6[%swap3A_186, %swap3A_187], %swap3A_190 {strides = array<i32>} : memref<128x512xf32, #tpu.memory_space<vmem>>, vector<1x16xf32>,
        %get3A_191 = arith.index_cast %scan3A_27 : i32 to index
        %get3A_192 = arith.constant 240 : index
        %get3A_193 = tpu.vector_load %arg6[%get3A_191, %get3A_192] {strides = array<i32>} : memref<128x512xf32, #tpu.memory_space<vmem>>, vector<1x16xf32>,
        %get3A_194 = vector.shape_cast %get3A_193 : vector<1x16xf32> to vector<16xf32>
        %mul3A_195 = vector.broadcast %scan3A_3 : f32 to vector<16xf32>
        %mul3A_196 = arith.mulf %get3A_194, %mul3A_195 : vector<16xf32>
        %swap3A_197 = arith.index_cast %scan3A_27 : i32 to index
        %swap3A_198 = arith.constant 240 : index
        %swap3A_199 = tpu.vector_load %arg6[%swap3A_197, %swap3A_198] {strides = array<i32>} : memref<128x512xf32, #tpu.memory_space<vmem>>, vector<1x16xf32>,
        %swap3A_200 = vector.shape_cast %swap3A_199 : vector<1x16xf32> to vector<16xf32>
        %swap3A_201 = vector.shape_cast %mul3A_196 : vector<16xf32> to vector<1x16xf32>
        tpu.vector_store %arg6[%swap3A_197, %swap3A_198], %swap3A_201 {strides = array<i32>} : memref<128x512xf32, #tpu.memory_space<vmem>>, vector<1x16xf32>,
        %get3A_202 = arith.index_cast %scan3A_27 : i32 to index
        %get3A_203 = arith.constant 256 : index
        %get3A_204 = tpu.vector_load %arg6[%get3A_202, %get3A_203] {strides = array<i32>} : memref<128x512xf32, #tpu.memory_space<vmem>>, vector<1x16xf32>,
        %get3A_205 = vector.shape_cast %get3A_204 : vector<1x16xf32> to vector<16xf32>
        %mul3A_206 = vector.broadcast %scan3A_3 : f32 to vector<16xf32>
        %mul3A_207 = arith.mulf %get3A_205, %mul3A_206 : vector<16xf32>
        %swap3A_208 = arith.index_cast %scan3A_27 : i32 to index
        %swap3A_209 = arith.constant 256 : index
        %swap3A_210 = tpu.vector_load %arg6[%swap3A_208, %swap3A_209] {strides = array<i32>} : memref<128x512xf32, #tpu.memory_space<vmem>>, vector<1x16xf32>,
        %swap3A_211 = vector.shape_cast %swap3A_210 : vector<1x16xf32> to vector<16xf32>
        %swap3A_212 = vector.shape_cast %mul3A_207 : vector<16xf32> to vector<1x16xf32>
        tpu.vector_store %arg6[%swap3A_208, %swap3A_209], %swap3A_212 {strides = array<i32>} : memref<128x512xf32, #tpu.memory_space<vmem>>, vector<1x16xf32>,
        %get3A_213 = arith.index_cast %scan3A_27 : i32 to index
        %get3A_214 = arith.constant 272 : index
        %get3A_215 = tpu.vector_load %arg6[%get3A_213, %get3A_214] {strides = array<i32>} : memref<128x512xf32, #tpu.memory_space<vmem>>, vector<1x16xf32>,
        %get3A_216 = vector.shape_cast %get3A_215 : vector<1x16xf32> to vector<16xf32>
        %mul3A_217 = vector.broadcast %scan3A_3 : f32 to vector<16xf32>
        %mul3A_218 = arith.mulf %get3A_216, %mul3A_217 : vector<16xf32>
        %swap3A_219 = arith.index_cast %scan3A_27 : i32 to index
        %swap3A_220 = arith.constant 272 : index
        %swap3A_221 = tpu.vector_load %arg6[%swap3A_219, %swap3A_220] {strides = array<i32>} : memref<128x512xf32, #tpu.memory_space<vmem>>, vector<1x16xf32>,
        %swap3A_222 = vector.shape_cast %swap3A_221 : vector<1x16xf32> to vector<16xf32>
        %swap3A_223 = vector.shape_cast %mul3A_218 : vector<16xf32> to vector<1x16xf32>
        tpu.vector_store %arg6[%swap3A_219, %swap3A_220], %swap3A_223 {strides = array<i32>} : memref<128x512xf32, #tpu.memory_space<vmem>>, vector<1x16xf32>,
        %get3A_224 = arith.index_cast %scan3A_27 : i32 to index
        %get3A_225 = arith.constant 288 : index
        %get3A_226 = tpu.vector_load %arg6[%get3A_224, %get3A_225] {strides = array<i32>} : memref<128x512xf32, #tpu.memory_space<vmem>>, vector<1x16xf32>,
        %get3A_227 = vector.shape_cast %get3A_226 : vector<1x16xf32> to vector<16xf32>
        %mul3A_228 = vector.broadcast %scan3A_3 : f32 to vector<16xf32>
        %mul3A_229 = arith.mulf %get3A_227, %mul3A_228 : vector<16xf32>
        %swap3A_230 = arith.index_cast %scan3A_27 : i32 to index
        %swap3A_231 = arith.constant 288 : index
        %swap3A_232 = tpu.vector_load %arg6[%swap3A_230, %swap3A_231] {strides = array<i32>} : memref<128x512xf32, #tpu.memory_space<vmem>>, vector<1x16xf32>,
        %swap3A_233 = vector.shape_cast %swap3A_232 : vector<1x16xf32> to vector<16xf32>
        %swap3A_234 = vector.shape_cast %mul3A_229 : vector<16xf32> to vector<1x16xf32>
        tpu.vector_store %arg6[%swap3A_230, %swap3A_231], %swap3A_234 {strides = array<i32>} : memref<128x512xf32, #tpu.memory_space<vmem>>, vector<1x16xf32>,
        %get3A_235 = arith.index_cast %scan3A_27 : i32 to index
        %get3A_236 = arith.constant 304 : index
        %get3A_237 = tpu.vector_load %arg6[%get3A_235, %get3A_236] {strides = array<i32>} : memref<128x512xf32, #tpu.memory_space<vmem>>, vector<1x16xf32>,
        %get3A_238 = vector.shape_cast %get3A_237 : vector<1x16xf32> to vector<16xf32>
        %mul3A_239 = vector.broadcast %scan3A_3 : f32 to vector<16xf32>
        %mul3A_240 = arith.mulf %get3A_238, %mul3A_239 : vector<16xf32>
        %swap3A_241 = arith.index_cast %scan3A_27 : i32 to index
        %swap3A_242 = arith.constant 304 : index
        %swap3A_243 = tpu.vector_load %arg6[%swap3A_241, %swap3A_242] {strides = array<i32>} : memref<128x512xf32, #tpu.memory_space<vmem>>, vector<1x16xf32>,
        %swap3A_244 = vector.shape_cast %swap3A_243 : vector<1x16xf32> to vector<16xf32>
        %swap3A_245 = vector.shape_cast %mul3A_240 : vector<16xf32> to vector<1x16xf32>
        tpu.vector_store %arg6[%swap3A_241, %swap3A_242], %swap3A_245 {strides = array<i32>} : memref<128x512xf32, #tpu.memory_space<vmem>>, vector<1x16xf32>,
        %get3A_246 = arith.index_cast %scan3A_27 : i32 to index
        %get3A_247 = arith.constant 320 : index
        %get3A_248 = tpu.vector_load %arg6[%get3A_246, %get3A_247] {strides = array<i32>} : memref<128x512xf32, #tpu.memory_space<vmem>>, vector<1x16xf32>,
        %get3A_249 = vector.shape_cast %get3A_248 : vector<1x16xf32> to vector<16xf32>
        %mul3A_250 = vector.broadcast %scan3A_3 : f32 to vector<16xf32>
        %mul3A_251 = arith.mulf %get3A_249, %mul3A_250 : vector<16xf32>
        %swap3A_252 = arith.index_cast %scan3A_27 : i32 to index
        %swap3A_253 = arith.constant 320 : index
        %swap3A_254 = tpu.vector_load %arg6[%swap3A_252, %swap3A_253] {strides = array<i32>} : memref<128x512xf32, #tpu.memory_space<vmem>>, vector<1x16xf32>,
        %swap3A_255 = vector.shape_cast %swap3A_254 : vector<1x16xf32> to vector<16xf32>
        %swap3A_256 = vector.shape_cast %mul3A_251 : vector<16xf32> to vector<1x16xf32>
        tpu.vector_store %arg6[%swap3A_252, %swap3A_253], %swap3A_256 {strides = array<i32>} : memref<128x512xf32, #tpu.memory_space<vmem>>, vector<1x16xf32>,
        %get3A_257 = arith.index_cast %scan3A_27 : i32 to index
        %get3A_258 = arith.constant 336 : index
        %get3A_259 = tpu.vector_load %arg6[%get3A_257, %get3A_258] {strides = array<i32>} : memref<128x512xf32, #tpu.memory_space<vmem>>, vector<1x16xf32>,
        %get3A_260 = vector.shape_cast %get3A_259 : vector<1x16xf32> to vector<16xf32>
        %mul3A_261 = vector.broadcast %scan3A_3 : f32 to vector<16xf32>
        %mul3A_262 = arith.mulf %get3A_260, %mul3A_261 : vector<16xf32>
        %swap3A_263 = arith.index_cast %scan3A_27 : i32 to index
        %swap3A_264 = arith.constant 336 : index
        %swap3A_265 = tpu.vector_load %arg6[%swap3A_263, %swap3A_264] {strides = array<i32>} : memref<128x512xf32, #tpu.memory_space<vmem>>, vector<1x16xf32>,
        %swap3A_266 = vector.shape_cast %swap3A_265 : vector<1x16xf32> to vector<16xf32>
        %swap3A_267 = vector.shape_cast %mul3A_262 : vector<16xf32> to vector<1x16xf32>
        tpu.vector_store %arg6[%swap3A_263, %swap3A_264], %swap3A_267 {strides = array<i32>} : memref<128x512xf32, #tpu.memory_space<vmem>>, vector<1x16xf32>,
        %get3A_268 = arith.index_cast %scan3A_27 : i32 to index
        %get3A_269 = arith.constant 352 : index
        %get3A_270 = tpu.vector_load %arg6[%get3A_268, %get3A_269] {strides = array<i32>} : memref<128x512xf32, #tpu.memory_space<vmem>>, vector<1x16xf32>,
        %get3A_271 = vector.shape_cast %get3A_270 : vector<1x16xf32> to vector<16xf32>
        %mul3A_272 = vector.broadcast %scan3A_3 : f32 to vector<16xf32>
        %mul3A_273 = arith.mulf %get3A_271, %mul3A_272 : vector<16xf32>
        %swap3A_274 = arith.index_cast %scan3A_27 : i32 to index
        %swap3A_275 = arith.constant 352 : index
        %swap3A_276 = tpu.vector_load %arg6[%swap3A_274, %swap3A_275] {strides = array<i32>} : memref<128x512xf32, #tpu.memory_space<vmem>>, vector<1x16xf32>,
        %swap3A_277 = vector.shape_cast %swap3A_276 : vector<1x16xf32> to vector<16xf32>
        %swap3A_278 = vector.shape_cast %mul3A_273 : vector<16xf32> to vector<1x16xf32>
        tpu.vector_store %arg6[%swap3A_274, %swap3A_275], %swap3A_278 {strides = array<i32>} : memref<128x512xf32, #tpu.memory_space<vmem>>, vector<1x16xf32>,
        %get3A_279 = arith.index_cast %scan3A_27 : i32 to index
        %get3A_280 = arith.constant 368 : index
        %get3A_281 = tpu.vector_load %arg6[%get3A_279, %get3A_280] {strides = array<i32>} : memref<128x512xf32, #tpu.memory_space<vmem>>, vector<1x16xf32>,
        %get3A_282 = vector.shape_cast %get3A_281 : vector<1x16xf32> to vector<16xf32>
        %mul3A_283 = vector.broadcast %scan3A_3 : f32 to vector<16xf32>
        %mul3A_284 = arith.mulf %get3A_282, %mul3A_283 : vector<16xf32>
        %swap3A_285 = arith.index_cast %scan3A_27 : i32 to index
        %swap3A_286 = arith.constant 368 : index
        %swap3A_287 = tpu.vector_load %arg6[%swap3A_285, %swap3A_286] {strides = array<i32>} : memref<128x512xf32, #tpu.memory_space<vmem>>, vector<1x16xf32>,
        %swap3A_288 = vector.shape_cast %swap3A_287 : vector<1x16xf32> to vector<16xf32>
        %swap3A_289 = vector.shape_cast %mul3A_284 : vector<16xf32> to vector<1x16xf32>
        tpu.vector_store %arg6[%swap3A_285, %swap3A_286], %swap3A_289 {strides = array<i32>} : memref<128x512xf32, #tpu.memory_space<vmem>>, vector<1x16xf32>,
        %get3A_290 = arith.index_cast %scan3A_27 : i32 to index
        %get3A_291 = arith.constant 384 : index
        %get3A_292 = tpu.vector_load %arg6[%get3A_290, %get3A_291] {strides = array<i32>} : memref<128x512xf32, #tpu.memory_space<vmem>>, vector<1x16xf32>,
        %get3A_293 = vector.shape_cast %get3A_292 : vector<1x16xf32> to vector<16xf32>
        %mul3A_294 = vector.broadcast %scan3A_3 : f32 to vector<16xf32>
        %mul3A_295 = arith.mulf %get3A_293, %mul3A_294 : vector<16xf32>
        %swap3A_296 = arith.index_cast %scan3A_27 : i32 to index
        %swap3A_297 = arith.constant 384 : index
        %swap3A_298 = tpu.vector_load %arg6[%swap3A_296, %swap3A_297] {strides = array<i32>} : memref<128x512xf32, #tpu.memory_space<vmem>>, vector<1x16xf32>,
        %swap3A_299 = vector.shape_cast %swap3A_298 : vector<1x16xf32> to vector<16xf32>
        %swap3A_300 = vector.shape_cast %mul3A_295 : vector<16xf32> to vector<1x16xf32>
        tpu.vector_store %arg6[%swap3A_296, %swap3A_297], %swap3A_300 {strides = array<i32>} : memref<128x512xf32, #tpu.memory_space<vmem>>, vector<1x16xf32>,
        %get3A_301 = arith.index_cast %scan3A_27 : i32 to index
        %get3A_302 = arith.constant 400 : index
        %get3A_303 = tpu.vector_load %arg6[%get3A_301, %get3A_302] {strides = array<i32>} : memref<128x512xf32, #tpu.memory_space<vmem>>, vector<1x16xf32>,
        %get3A_304 = vector.shape_cast %get3A_303 : vector<1x16xf32> to vector<16xf32>
        %mul3A_305 = vector.broadcast %scan3A_3 : f32 to vector<16xf32>
        %mul3A_306 = arith.mulf %get3A_304, %mul3A_305 : vector<16xf32>
        %swap3A_307 = arith.index_cast %scan3A_27 : i32 to index
        %swap3A_308 = arith.constant 400 : index
        %swap3A_309 = tpu.vector_load %arg6[%swap3A_307, %swap3A_308] {strides = array<i32>} : memref<128x512xf32, #tpu.memory_space<vmem>>, vector<1x16xf32>,
        %swap3A_310 = vector.shape_cast %swap3A_309 : vector<1x16xf32> to vector<16xf32>
        %swap3A_311 = vector.shape_cast %mul3A_306 : vector<16xf32> to vector<1x16xf32>
        tpu.vector_store %arg6[%swap3A_307, %swap3A_308], %swap3A_311 {strides = array<i32>} : memref<128x512xf32, #tpu.memory_space<vmem>>, vector<1x16xf32>,
        %get3A_312 = arith.index_cast %scan3A_27 : i32 to index
        %get3A_313 = arith.constant 416 : index
        %get3A_314 = tpu.vector_load %arg6[%get3A_312, %get3A_313] {strides = array<i32>} : memref<128x512xf32, #tpu.memory_space<vmem>>, vector<1x16xf32>,
        %get3A_315 = vector.shape_cast %get3A_314 : vector<1x16xf32> to vector<16xf32>
        %mul3A_316 = vector.broadcast %scan3A_3 : f32 to vector<16xf32>
        %mul3A_317 = arith.mulf %get3A_315, %mul3A_316 : vector<16xf32>
        %swap3A_318 = arith.index_cast %scan3A_27 : i32 to index
        %swap3A_319 = arith.constant 416 : index
        %swap3A_320 = tpu.vector_load %arg6[%swap3A_318, %swap3A_319] {strides = array<i32>} : memref<128x512xf32, #tpu.memory_space<vmem>>, vector<1x16xf32>,
        %swap3A_321 = vector.shape_cast %swap3A_320 : vector<1x16xf32> to vector<16xf32>
        %swap3A_322 = vector.shape_cast %mul3A_317 : vector<16xf32> to vector<1x16xf32>
        tpu.vector_store %arg6[%swap3A_318, %swap3A_319], %swap3A_322 {strides = array<i32>} : memref<128x512xf32, #tpu.memory_space<vmem>>, vector<1x16xf32>,
        %get3A_323 = arith.index_cast %scan3A_27 : i32 to index
        %get3A_324 = arith.constant 432 : index
        %get3A_325 = tpu.vector_load %arg6[%get3A_323, %get3A_324] {strides = array<i32>} : memref<128x512xf32, #tpu.memory_space<vmem>>, vector<1x16xf32>,
        %get3A_326 = vector.shape_cast %get3A_325 : vector<1x16xf32> to vector<16xf32>
        %mul3A_327 = vector.broadcast %scan3A_3 : f32 to vector<16xf32>
        %mul3A_328 = arith.mulf %get3A_326, %mul3A_327 : vector<16xf32>
        %swap3A_329 = arith.index_cast %scan3A_27 : i32 to index
        %swap3A_330 = arith.constant 432 : index
        %swap3A_331 = tpu.vector_load %arg6[%swap3A_329, %swap3A_330] {strides = array<i32>} : memref<128x512xf32, #tpu.memory_space<vmem>>, vector<1x16xf32>,
        %swap3A_332 = vector.shape_cast %swap3A_331 : vector<1x16xf32> to vector<16xf32>
        %swap3A_333 = vector.shape_cast %mul3A_328 : vector<16xf32> to vector<1x16xf32>
        tpu.vector_store %arg6[%swap3A_329, %swap3A_330], %swap3A_333 {strides = array<i32>} : memref<128x512xf32, #tpu.memory_space<vmem>>, vector<1x16xf32>,
        %get3A_334 = arith.index_cast %scan3A_27 : i32 to index
        %get3A_335 = arith.constant 448 : index
        %get3A_336 = tpu.vector_load %arg6[%get3A_334, %get3A_335] {strides = array<i32>} : memref<128x512xf32, #tpu.memory_space<vmem>>, vector<1x16xf32>,
        %get3A_337 = vector.shape_cast %get3A_336 : vector<1x16xf32> to vector<16xf32>
        %mul3A_338 = vector.broadcast %scan3A_3 : f32 to vector<16xf32>
        %mul3A_339 = arith.mulf %get3A_337, %mul3A_338 : vector<16xf32>
        %swap3A_340 = arith.index_cast %scan3A_27 : i32 to index
        %swap3A_341 = arith.constant 448 : index
        %swap3A_342 = tpu.vector_load %arg6[%swap3A_340, %swap3A_341] {strides = array<i32>} : memref<128x512xf32, #tpu.memory_space<vmem>>, vector<1x16xf32>,
        %swap3A_343 = vector.shape_cast %swap3A_342 : vector<1x16xf32> to vector<16xf32>
        %swap3A_344 = vector.shape_cast %mul3A_339 : vector<16xf32> to vector<1x16xf32>
        tpu.vector_store %arg6[%swap3A_340, %swap3A_341], %swap3A_344 {strides = array<i32>} : memref<128x512xf32, #tpu.memory_space<vmem>>, vector<1x16xf32>,
        %get3A_345 = arith.index_cast %scan3A_27 : i32 to index
        %get3A_346 = arith.constant 464 : index
        %get3A_347 = tpu.vector_load %arg6[%get3A_345, %get3A_346] {strides = array<i32>} : memref<128x512xf32, #tpu.memory_space<vmem>>, vector<1x16xf32>,
        %get3A_348 = vector.shape_cast %get3A_347 : vector<1x16xf32> to vector<16xf32>
        %mul3A_349 = vector.broadcast %scan3A_3 : f32 to vector<16xf32>
        %mul3A_350 = arith.mulf %get3A_348, %mul3A_349 : vector<16xf32>
        %swap3A_351 = arith.index_cast %scan3A_27 : i32 to index
        %swap3A_352 = arith.constant 464 : index
        %swap3A_353 = tpu.vector_load %arg6[%swap3A_351, %swap3A_352] {strides = array<i32>} : memref<128x512xf32, #tpu.memory_space<vmem>>, vector<1x16xf32>,
        %swap3A_354 = vector.shape_cast %swap3A_353 : vector<1x16xf32> to vector<16xf32>
        %swap3A_355 = vector.shape_cast %mul3A_350 : vector<16xf32> to vector<1x16xf32>
        tpu.vector_store %arg6[%swap3A_351, %swap3A_352], %swap3A_355 {strides = array<i32>} : memref<128x512xf32, #tpu.memory_space<vmem>>, vector<1x16xf32>,
        %get3A_356 = arith.index_cast %scan3A_27 : i32 to index
        %get3A_357 = arith.constant 480 : index
        %get3A_358 = tpu.vector_load %arg6[%get3A_356, %get3A_357] {strides = array<i32>} : memref<128x512xf32, #tpu.memory_space<vmem>>, vector<1x16xf32>,
        %get3A_359 = vector.shape_cast %get3A_358 : vector<1x16xf32> to vector<16xf32>
        %mul3A_360 = vector.broadcast %scan3A_3 : f32 to vector<16xf32>
        %mul3A_361 = arith.mulf %get3A_359, %mul3A_360 : vector<16xf32>
        %swap3A_362 = arith.index_cast %scan3A_27 : i32 to index
        %swap3A_363 = arith.constant 480 : index
        %swap3A_364 = tpu.vector_load %arg6[%swap3A_362, %swap3A_363] {strides = array<i32>} : memref<128x512xf32, #tpu.memory_space<vmem>>, vector<1x16xf32>,
        %swap3A_365 = vector.shape_cast %swap3A_364 : vector<1x16xf32> to vector<16xf32>
        %swap3A_366 = vector.shape_cast %mul3A_361 : vector<16xf32> to vector<1x16xf32>
        tpu.vector_store %arg6[%swap3A_362, %swap3A_363], %swap3A_366 {strides = array<i32>} : memref<128x512xf32, #tpu.memory_space<vmem>>, vector<1x16xf32>,
        %get3A_367 = arith.index_cast %scan3A_27 : i32 to index
        %get3A_368 = arith.constant 496 : index
        %get3A_369 = tpu.vector_load %arg6[%get3A_367, %get3A_368] {strides = array<i32>} : memref<128x512xf32, #tpu.memory_space<vmem>>, vector<1x16xf32>,
        %get3A_370 = vector.shape_cast %get3A_369 : vector<1x16xf32> to vector<16xf32>
        %mul3A_371 = vector.broadcast %scan3A_3 : f32 to vector<16xf32>
        %mul3A_372 = arith.mulf %get3A_370, %mul3A_371 : vector<16xf32>
        %swap3A_373 = arith.index_cast %scan3A_27 : i32 to index
        %swap3A_374 = arith.constant 496 : index
        %swap3A_375 = tpu.vector_load %arg6[%swap3A_373, %swap3A_374] {strides = array<i32>} : memref<128x512xf32, #tpu.memory_space<vmem>>, vector<1x16xf32>,
        %swap3A_376 = vector.shape_cast %swap3A_375 : vector<1x16xf32> to vector<16xf32>
        %swap3A_377 = vector.shape_cast %mul3A_372 : vector<16xf32> to vector<1x16xf32>
        tpu.vector_store %arg6[%swap3A_373, %swap3A_374], %swap3A_377 {strides = array<i32>} : memref<128x512xf32, #tpu.memory_space<vmem>>, vector<1x16xf32>,
      }
      %scan3A_23 = arith.constant 128 : i32
      %mul3A_24 = arith.constant 128 : i32
      %mul3A_25 = arith.muli %scan3A_9, %mul3A_24 : i32
      %add3A_26 = arith.addi %mul3A_2, %mul3A_25 : i32
      "tpu.region"() ({
        %run_scoped3A = tpu.sem_alloc : memref<!tpu.dma_semaphore, #tpu.memory_space<semaphore_mem>>
        %dma_start3A_27 = arith.constant 0 : i32
        %dma_start3A_28 = tpu.memref_slice %arg4[%add3A_26, %dma_start3A_27] : memref<204800x512xf32, #tpu.memory_space<hbm>> -> memref<128x512xf32, #tpu.memory_space<hbm>>
        %dma_start3A_29 = arith.constant 0 : i32
        %dma_start3A_30 = tpu.memref_slice %arg4[%add3A_26, %dma_start3A_29] : memref<204800x512xf32, #tpu.memory_space<hbm>> -> memref<128x512xf32, #tpu.memory_space<hbm>>
        tpu.enqueue_dma source(%arg6 : memref<128x512xf32, #tpu.memory_space<vmem>>) target(%dma_start3A_30 : memref<128x512xf32, #tpu.memory_space<hbm>>) target_semaphore(%run_scoped3A : memref<!tpu.dma_semaphore, #tpu.memory_space<semaphore_mem>>)
        %dma_wait3A_31 = arith.constant 0 : i32
        %dma_wait3A_32 = tpu.memref_slice %arg4[%add3A_26, %dma_wait3A_31] : memref<204800x512xf32, #tpu.memory_space<hbm>> -> memref<128x512xf32, #tpu.memory_space<hbm>>
        %dma_wait3A_33 = arith.constant 0 : i32
        %dma_wait3A_34 = tpu.memref_slice %arg4[%add3A_26, %dma_wait3A_33] : memref<204800x512xf32, #tpu.memory_space<hbm>> -> memref<128x512xf32, #tpu.memory_space<hbm>>
        tpu.wait_dma2 semaphore(%run_scoped3A : memref<!tpu.dma_semaphore, #tpu.memory_space<semaphore_mem>>) src(%arg6 : memref<128x512xf32, #tpu.memory_space<vmem>>) dst(%dma_wait3A_34 : memref<128x512xf32, #tpu.memory_space<hbm>>)
        tpu.yield
      }) : () -> ()
    }
    %scan3A_8 = arith.constant 50 : i32
    return
  }
}

</mosaic_0001>

<sc_bundles>
// kernel: kernel.3.cloned.1.call-start
scs
__scs_entry_jumppad:
0x0: {  	(pc) =	sbr.rel $0x88, $3  }
0x1: {  	(tag) =	ssettag $0x0;
	lr =	simm.s32 $0x1  }
0x2: {  	[smem:$0x3F9F] =	sst lr;
	_ =	strace $0xD0000000  }
0x3: {  	_ = 	snop  }
0x4: {  	_ = 	snop  }
0x5: {  	_ = 	snop  }
0x6: {  	_ = 	snop  }
0x7: {  	_ = 	snop  }
__scs_overlays_trampoline_lowered:
0x8: {  	[smem:$0x3FAE] =	sst s0  }
0x9: {  	[smem:$0x3FAF] =	sst s1  }
0xa: {  	[smem:$0x3FB0] =	sst s2  }
0xb: {  	[smem:$0x3FB1] =	sst s3  }
0xc: {  	[smem:$0x3FB2] =	sst s4  }
0xd: {  	[smem:$0x3FB3] =	sst s5  }
0xe: {  	[smem:$0x3FB4] =	sst s6  }
0xf: {  	[smem:$0x3FB5] =	sst s7  }
0x10: {  	[smem:$0x3FB6] =	sst s8  }
0x11: {  	[smem:$0x3FB7] =	sst s9;
	s0 =	simm.s32 @!p0 $0x0  }
0x12: {  	s1 =	sld [smem:$0x3F9D];
	s0 =	simm.s32 @p0 $0x1  }
0x13: {  	[smem:$0x3FB8] =	sst s0;
	s0 =	simm.s32 @!p1 $0x0  }
0x14: {  	s2 =	sld [smem:$0x3F9C];
	s0 =	simm.s32 @p1 $0x1  }
0x15: {  	[smem:$0x3FB9] =	sst s0;
	s0 =	simm.s32 @!p2 $0x0  }
0x16: {  	s3 =	sld [smem:$0x3FDB];
	s0 =	simm.s32 @p2 $0x1  }
0x17: {  	s4 =	simm.s32 $0x1BF5;
	[smem:$0x3FBB] =	sst s0  }
0x18: {  	s0 =	sld [smem:$0x3F9E];
	_ =	swait.ge [sflag:s4], $0x0  }
0x19: {  	s7 =	sld [smem:$0x3F9F]  }
0x1a: {  	s8 =	sadd.s32 $0xFFFFE003, lr  }
0x1b: {  	s9 =	sadd.s32 $0xFFFFFEF7, lr;
	s5 =	simm.s32 $0xFFFFFFFF;
	p2 =	slt.u32 s8, $0xFFFFF086  }
0x1c: {  	p1 =	slt.u32 s9, $0xF7A;
	s5 =	simm.s32 @!p2 $0x0  }
0x1d: {  	s5 =	simm.s32 @p1 $0x1;
	p0 =	seq.s32 s7, s2  }
0x1e: {  	s7 =	smul.u32 @!p0 $0xF7A, s2;
	p2 =	seq.s32 @!p0 s5, $0x0  }
0x1f: {  	s9 =	smul.u32 $0xF7A, s1;
	s8 =	simm.s32 @!p0 $0x1BF5;
	p2 =	por !p2, p0  }
0x20: {  	[sflag:s8] =	ssyncset.s32 @!p0 $0xFFFFF086;
	s6 =	sadd.s32 @!p0 s3, s7;
	s7 =	simm.s32 @!p0 $0x108  }
0x21: {  	s3 =	sadd.s32 s3, s9;
	s6 =	sadd.s32 @!p0 $0x88, s6;
	s7 =	simm.s32 @p2 $0x1082  }
0x22: {  	[simem:s7], [sflag:s8] =	dma.local @!p0 [hbm:s6], $0xF7A  }
0x23: {  	s9 =	sor.u32 $0xD0000000, s2;
	s6 =	simm.s32 $0x108;
	_ =	swait.ge @!p0 [sflag:s8], $0x0  }
0x24: {  	s3 =	sadd.s32 $0x88, s3;
	s6 =	simm.s32 @!p1 $0x1082;
	[sflag:s4] =	ssyncset.s32 $0xFFFFF086  }
0x25: {  	[simem:s6], [sflag:s4] =	dma.local [hbm:s3], $0xF7A  }
0x26: {  	[smem:$0x3F9F] =	sst s1;
	(tag) =	ssettag s2;
	_ =	strace s9  }
0x27: {  	s1 =	sld [smem:$0x3FAF]  }
0x28: {  	s2 =	sld [smem:$0x3FB0]  }
0x29: {  	s4 =	sld [smem:$0x3FB2]  }
0x2a: {  	p0 =	seq.s32 s5, $0x0;
	s5 =	sld [smem:$0x3FB3]  }
0x2b: {  	s6 =	sld [smem:$0x3FB4]  }
0x2c: {  	s7 =	sld [smem:$0x3FB5]  }
0x2d: {  	s3 =	simm.s32 $0x108;
	s8 =	sld [smem:$0x3FB6]  }
0x2e: {  	s3 =	simm.s32 @!p0 $0x1082;
	s9 =	sld [smem:$0x3FB7]  }
0x2f: {  	lr =	sadd.s32 s0, s3;
	s0 =	sld [smem:$0x3FAE]  }
0x30: {  	s3 =	sld [smem:$0x3FB1]  }
0x31: {  	[smem:$0x3FBA] =	sst s10  }
0x32: {  	s10 =	sld [smem:$0x3FB8];
	_ =	sdelay $0x3  }
0x33: {  	p0 =	seq.s32 s10, $0x1;
	s10 =	sld [smem:$0x3FBA];
	_ =	sdelay $0x3  }
0x34: {  	[smem:$0x3FBA] =	sst s10  }
0x35: {  	s10 =	sld [smem:$0x3FB9];
	_ =	sdelay $0x3  }
0x36: {  	p1 =	seq.s32 s10, $0x1;
	s10 =	sld [smem:$0x3FBA];
	_ =	sdelay $0x3  }
0x37: {  	[smem:$0x3FBA] =	sst s10  }
0x38: {  	s10 =	sld [smem:$0x3FBB]  }
0x39: {  	_ = 	snop;
	(pc) =	sbr.ind lr, $3  }
0x3a: {  	_ = 	snop  }
0x3b: {  	_ = 	snop  }
0x3c: {  	p2 =	seq.s32 s10, $0x1;
	s10 =	sld [smem:$0x3FBA]  }
0x3d: {  	_ =	shalt  }
0x3e: {  	_ =	shalt  }
0x3f: {  	_ =	shalt  }
0x40: {  	_ =	shalt  }
0x41: {  	_ =	shalt  }
0x42: {  	_ =	shalt  }
0x43: {  	_ =	shalt  }
0x44: {  	_ =	shalt  }
0x45: {  	_ =	shalt  }
0x46: {  	_ =	shalt  }
0x47: {  	_ =	shalt  }
0x48: {  	_ =	shalt  }
0x49: {  	_ =	shalt  }
0x4a: {  	_ =	shalt  }
0x4b: {  	_ =	shalt  }
0x4c: {  	_ =	shalt  }
0x4d: {  	_ =	shalt  }
0x4e: {  	_ =	shalt  }
0x4f: {  	_ =	shalt  }
0x50: {  	_ =	shalt  }
0x51: {  	_ =	shalt  }
0x52: {  	_ =	shalt  }
0x53: {  	_ =	shalt  }
0x54: {  	_ =	shalt  }
0x55: {  	_ =	shalt  }
0x56: {  	_ =	shalt  }
0x57: {  	_ =	shalt  }
0x58: {  	_ =	shalt  }
0x59: {  	_ =	shalt  }
0x5a: {  	_ =	shalt  }
0x5b: {  	_ =	shalt  }
0x5c: {  	_ =	shalt  }
0x5d: {  	_ =	shalt  }
0x5e: {  	_ =	shalt  }
0x5f: {  	_ =	shalt  }
0x60: {  	_ =	shalt  }
0x61: {  	_ =	shalt  }
0x62: {  	_ =	shalt  }
0x63: {  	_ =	shalt  }
0x64: {  	_ =	shalt  }
0x65: {  	_ =	shalt  }
0x66: {  	_ =	shalt  }
0x67: {  	_ =	shalt  }
0x68: {  	_ =	shalt  }
0x69: {  	_ =	shalt  }
0x6a: {  	_ =	shalt  }
0x6b: {  	_ =	shalt  }
0x6c: {  	_ =	shalt  }
0x6d: {  	_ =	shalt  }
0x6e: {  	_ =	shalt  }
0x6f: {  	_ =	shalt  }
0x70: {  	_ =	shalt  }
0x71: {  	_ =	shalt  }
0x72: {  	_ =	shalt  }
0x73: {  	_ =	shalt  }
0x74: {  	_ =	shalt  }
0x75: {  	_ =	shalt  }
0x76: {  	_ =	shalt  }
0x77: {  	_ =	shalt  }
0x78: {  	_ =	shalt  }
0x79: {  	_ =	shalt  }
0x7a: {  	_ =	shalt  }
0x7b: {  	_ =	shalt  }
0x7c: {  	_ =	shalt  }
0x7d: {  	_ =	shalt  }
0x7e: {  	_ =	shalt  }
0x7f: {  	_ =	shalt  }
0x80: {  	_ =	shalt  }
0x81: {  	_ =	shalt  }
0x82: {  	_ =	shalt  }
0x83: {  	_ =	shalt  }
0x84: {  	_ =	shalt  }
0x85: {  	_ =	shalt  }
0x86: {  	_ =	shalt  }
0x87: {  	_ =	shalt  }
.Lfunc_end0:
.L_simem_size_0:
called_computation_lowered:
.L_overlay_start_0:
0x88: {  	s2 =	sld [smem:$0x3FD9]  }
0x89: {  	s3 =	sld [smem:$0x3FFE];
	_ =	sdelay $0x1  }
0x8a: {  	s1 =	srdreg.scid  }
0x8b: {  	s0 =	sand.u32 $0x1, s1  }
0x8c: {  	s17 =	sshll.u32 s0, $0xA;
	s2 =	sadd.s32 s3, s2  }
0x8d: {  	s2 =	sadd.s32 s2, s17  }
0x8e: {  	[smem:$0x3FC6] =	sst s2  }
0x8f: {  	_ = 	snop  }
0x90: {  	s2 =	sld [smem:$0x3FC8]  }
0x91: {  	s18 =	sld [smem:$0x3FD0];
	(tm) =	ssettm $0x1  }
0x92: {  	s4 =	sld [smem:$0x3FFB];
	_ =	sdelay $0x3  }
0x93: {  	_ =	strace s4  }
0x94: {  	s4 =	sld [smem:$0x3FFC];
	_ =	sdelay $0x3  }
0x95: {  	_ =	strace s4  }
0x96: {  	s4 =	sld [smem:$0x3FFD];
	_ =	sdelay $0x3  }
0x97: {  	_ =	strace s4  }
0x98: {  	_ =	strace $0x8FFFFFFF  }
0x99: {  	s19 =	sld [smem:$0x3FDB];
	_ =	sdelay $0x1  }
0x9a: {  	s5 =	simm.s32 $_scs_section_size  }
0x9b: {  	s6 =	simm.s32 $_size__tile_overlayer_lowered;
	s7 =	simm.s32 $_tile_overlayer_lowered  }
0x9c: {  	s22 =	simm.s32 $0x1BFF;
	s21 =	sshll.u32 s7, $0x1;
	s4 =	sadd.s32 s5, s19  }
0x9d: {  	s8 =	simm.s32 $0x0;
	s20 =	sshll.u32 s6, $0x1;
	s6 =	sadd.s32 s21, s4  }
0x9e: {  	[timem:s8], [sflag:s22] =	dma.local [hbm:s6], s20  }
0x9f: {  	_ =	swait.ge [sflag:s22], s20  }
0xa0: {  	s5 =	ssub.s32 $0x0, s20;
	[sflag:s22] =	ssyncset.done $0x0  }
0xa1: {  	[sflag:s22] =	ssyncadd.s32 s5;
	_ =	sdelay $0x1  }
0xa2: {  	s23 =	simm.s32 $0x1B8B  }
0xa3: {  	_ =	swait.ge [sflag:s23], $0x1  }
0xa4: {  	[sflag:s23] =	ssyncset.done $0x0  }
0xa5: {  	s25 =	simm.s32 $0x1B8E;
	s24 =	sld [smem:$0x3FFE];
	[sflag:s23] =	ssyncadd.s32 $0xFFFFFFFF  }
0xa6: {  	s26 =	simm.s32 $execute0_lowered;
	[smem:$0x3FD2] =	sst s25  }
0xa7: {  	s6 =	sshll.u32 s26, $0x1;
	_ =	strace $0x80000046;
	[dreg:$0x1] =	wrdreg $0xFFFFFFFF  }
0xa8: {  	s28 =	simm.s32 $_size_execute0_lowered;
	s4 =	sadd.s32 s4, s6;
	[dreg:$0x0] =	wrdreg $0x0  }
0xa9: {  	s6 =	sshll.u32 s28, $0x1;
	[dreg:$0x2] =	wrdreg s4  }
0xaa: {  	[dreg:$0x3] =	wrdreg s6  }
0xab: {  	[dreg:$0x4] =	wrdreg $0xC0  }
0xac: {  	_ =	task [dreg:s8], $0x5FFFF  }
0xad: {  	[dreg:$0x1] =	wrdreg $0xFFFFFFFF  }
0xae: {  	[dreg:$0x0] =	wrdreg $0x60  }
0xaf: {  	[dreg:$0x2] =	wrdreg s24  }
0xb0: {  	[dreg:$0x3] =	wrdreg s2  }
0xb1: {  	[dreg:$0x4] =	wrdreg s18  }
0xb2: {  	[dreg:$0x5] =	wrdreg $0x9  }
0xb3: {  	_ =	task.clear_ibuf [dreg:s8], $0x6FFFF;
	_ =	strace $0x90000046  }
0xb4: {  	s29 =	simm.s32 $0x9;
	_ =	strace $0x80000048  }
0xb5: {  	_ =	swait.ge [sflag:s29], $0x1  }
0xb6: {  	[sflag:s29] =	ssyncadd.s32 $0xFFFFFFFF  }
0xb7: {  	_ =	strace $0x90000048  }
0xb8: {  	_ =	sfence  }
0xb9: {  	s30 =	sld [smem:$0x0];
	_ =	sdelay $0x2  }
0xba: {  	s31 =	sshll.u32 s1, $0xD;
	s1 =	sshrl.u32 s1, $0x2  }
0xbb: {  	s3 =	sand.u32 $0x4000, s31;
	s1 =	sadd.s32 s1, s30  }
0xbc: {  	s0 =	sor.u32 s3, s0;
	s1 =	sshll.u32 s1, $0x11  }
0xbd: {  	s0 =	sor.u32 s1, s0  }
0xbe: {  	s0 =	sadd.s32 $0x8F2B, s0  }
0xbf: {  	[sflag:s0] =	ssyncadd.remote.s32 $0x1  }
0xc0: {  	_ =	sfence.sel $0xFFFF  }
0xc1: {  	[dreg:$0x0] =	wrdreg $0xFFFFFFFF;
	(pc) =	sbr.abs _section_cstart, $3  }
0xc2: {  	[dreg:$0x1] =	wrdreg $0xFFFFFFFF  }
0xc3: {  	_ =	task.clear_ibuf [dreg:s8], $0x2FFFF;
	_ =	strace $0x9FFFFFFF  }
0xc4: {  	(tm) =	ssettm $0x7FFFFFFF  }
0xc5: {  	_ =	shalt  }
tec
execute0_lowered:
.L_overlay_start_1:
0x0: {  	(tag) =	ssettag $0x1  }
0x1: {  	s0 =	rddreg [dreg:$0x0]  }
0x2: {  	s2 =	rddreg [dreg:$0x1]  }
0x3: {  	s1 =	srdreg.scid;
	s3 =	stileid.u32;
	s5 =	simm.s32 $0x0  }
0x4: {  	s9 =	simm.s32 $0x2;
	s10 =	simm.s32 $0x1900;
	s23 =	simm.s32 $0x8100  }
0x5: {  	s24 =	simm.s32 $0x8900;
	s28 =	simm.s32 $0xA100;
	s29 =	simm.s32 $0xA900  }
0x6: {  	s30 =	simm.s32 $0xB100;
	s31 =	simm.s32 $0xB900;
	s8 =	simm.s32 $0xD900  }
0x7: {  	s11 =	simm.s32 $0xE900;
	s12 =	simm.s32 $0xF900;
	s13 =	simm.s32 $0x10100  }
0x8: {  	s14 =	simm.s32 $0x10900;
	s15 =	simm.s32 $0x11100;
	s16 =	simm.s32 $0x1  }
0x9: {  	s18 =	simm.s32 $0x0;
	s1 =	sand.u32 $0x1, s1;
	s3 =	sshll.u32 s3, $0x1  }
0xa: {  	[smem:$0x7FF] =	sst s5;
	s6 =	sadd.s32 $0x100, s2;
	s3 =	sor.u32 s1, s3  }
0xb: {  	s5 =	simm.s32 $0xD100;
	s1 =	ssub.s32 $0x2, s1;
	s4 =	smul.u32 $0x320, s3  }
0xc: {  	_ =	strace $0x80000047;
	s25 =	sshrl.u32 s1, $0x1;
	s7 =	smul.u32 $0x320000, s3  }
0xd: {  	s3 =	simm.s32 $0xE100;
	s1 =	ssub.s32 s1, s25;
	s25 =	simm.s32 $0x9100  }
0xe: {  	v2 =	vlaneseq.u32;
	s0 =	sadd.s32 s4, s0;
	s26 =	smax.u32 s1, $0x1;
	s1 =	simm.s32 $0xC100  }
0xf: {  	vm0 =	vmmov $0xffff;
	v1 =	vshrl.u32 v2, $0x3;
	s4 =	simm.s32 $0xF100;
	s0 =	sadd.s32 $0x400, s0;
	[dreg:$0x5] =	wrdreg s26  }
0x10: {  	v0 =	vand.u32 $0x7, v2;
	v2 =	vor.u32 $0x8, v2;
	v1 =	vmul.u32 $0x8, v1;
	s26 =	simm.s32 $0x9900;
	[dreg:$0x4] =	wrdreg s0;
	s0 =	simm.s32 $0xC900  }
.LBB2_1:
0x11: {  	[dreg:$0x6] =	wrdreg s18  }
0x12: {  	s17 =	simm.s32 $0x0;
	s22 =	rddreg [dreg:$0x4]  }
0x13: {  	[tilespmem:s17], [sflag:$0x2] =	stream.linear.gather [hbm4b:s22+s17], $0x1900, $0x38;
	[tilespmem:$0x11900] =	vst v63  }
0x14: {  	_ =	swait.ge [sflag:s9], $0x1900  }
0x15: {  	[sflag:s9] =	ssyncset.done $0x0  }
0x16: {  	s17 =	simm.s32 $0x0;
	[sflag:s9] =	ssyncadd.s32 $0xFFFFE700  }
.LBB2_2:
0x17: {  	s18 =	sshll.u32 s17, $0x7  }
0x18: {  	s19 =	sand.u32 $0x3FFFFF80, s18  }
0x19: {  	v3 =	vld [tilespmem:s19+$0x0];
	_ =	sdelay $0x4  }
0x1a: {  	v4 =	vshll.u32 v3, $0x2  }
0x1b: {  	v3 =	vand.u32 $0x7, v3;
	v4 =	vand.u32 $0xFFFFFFE0, v4  }
0x1c: {  	v3 =	vor.u32 v3, v4  }
0x1d: {  	v4 =	vperm.xlane v3, v0;
	_ =	sdelay $0x1  }
0x1e: {  	v4 =	vadd.s32 v1, v4;
	_ =	sdelay $0x1  }
0x1f: {  	v3 =	vperm.xlane v3, v2;
	_ =	sdelay $0x1  }
0x20: {  	s18 =	simm.s32 $0x0;
	v3 =	vadd.s32 v1, v3  }
0x21: {  	[tilespmem:s10], [sflag:$0x1] =	stream.indirect_vreg.gather [hbm4b:s2+s18], $0x80, v4, vm0, $0xb8;
	[tilespmem:$0x11900] =	vst v63  }
0x22: {  	s20 =	simm.s32 $0x2100  }
0x23: {  	[tilespmem:s20], [sflag:$0x1] =	stream.indirect_vreg.gather [hbm4b:s6+s18], $0x80, v4, vm0, $0xb8;
	[tilespmem:$0x11900] =	vst v63  }
0x24: {  	s21 =	simm.s32 $0x2900  }
0x25: {  	[tilespmem:s21], [sflag:$0x1] =	stream.indirect_vreg.gather [hbm4b:s2+s18], $0x80, v3, vm0, $0xb8;
	[tilespmem:$0x11900] =	vst v63  }
0x26: {  	s22 =	simm.s32 $0x3100  }
0x27: {  	[tilespmem:s22], [sflag:$0x1] =	stream.indirect_vreg.gather [hbm4b:s6+s18], $0x80, v3, vm0, $0xb8;
	[tilespmem:$0x11900] =	vst v63  }
0x28: {  	v3 =	vld [tilespmem:s19+$0x10];
	_ =	sdelay $0x4  }
0x29: {  	v4 =	vshll.u32 v3, $0x2  }
0x2a: {  	v3 =	vand.u32 $0x7, v3;
	v4 =	vand.u32 $0xFFFFFFE0, v4  }
0x2b: {  	v3 =	vor.u32 v3, v4  }
0x2c: {  	v4 =	vperm.xlane v3, v0;
	_ =	sdelay $0x1  }
0x2d: {  	v4 =	vadd.s32 v1, v4;
	_ =	sdelay $0x1  }
0x2e: {  	v3 =	vperm.xlane v3, v2;
	_ =	sdelay $0x1  }
0x2f: {  	s21 =	simm.s32 $0x3900;
	v3 =	vadd.s32 v1, v3  }
0x30: {  	[tilespmem:s21], [sflag:$0x1] =	stream.indirect_vreg.gather [hbm4b:s2+s18], $0x80, v4, vm0, $0xb8;
	[tilespmem:$0x11900] =	vst v63  }
0x31: {  	s22 =	simm.s32 $0x4100  }
0x32: {  	[tilespmem:s22], [sflag:$0x1] =	stream.indirect_vreg.gather [hbm4b:s6+s18], $0x80, v4, vm0, $0xb8;
	[tilespmem:$0x11900] =	vst v63  }
0x33: {  	s21 =	simm.s32 $0x4900  }
0x34: {  	[tilespmem:s21], [sflag:$0x1] =	stream.indirect_vreg.gather [hbm4b:s2+s18], $0x80, v3, vm0, $0xb8;
	[tilespmem:$0x11900] =	vst v63  }
0x35: {  	s22 =	simm.s32 $0x5100  }
0x36: {  	[tilespmem:s22], [sflag:$0x1] =	stream.indirect_vreg.gather [hbm4b:s6+s18], $0x80, v3, vm0, $0xb8;
	[tilespmem:$0x11900] =	vst v63  }
0x37: {  	v3 =	vld [tilespmem:s19+$0x20];
	_ =	sdelay $0x4  }
0x38: {  	v4 =	vshll.u32 v3, $0x2  }
0x39: {  	v3 =	vand.u32 $0x7, v3;
	v4 =	vand.u32 $0xFFFFFFE0, v4  }
0x3a: {  	v3 =	vor.u32 v3, v4  }
0x3b: {  	v4 =	vperm.xlane v3, v0;
	_ =	sdelay $0x1  }
0x3c: {  	v4 =	vadd.s32 v1, v4;
	_ =	sdelay $0x1  }
0x3d: {  	v3 =	vperm.xlane v3, v2;
	_ =	sdelay $0x1  }
0x3e: {  	s21 =	simm.s32 $0x5900;
	v3 =	vadd.s32 v1, v3  }
0x3f: {  	[tilespmem:s21], [sflag:$0x1] =	stream.indirect_vreg.gather [hbm4b:s2+s18], $0x80, v4, vm0, $0xb8;
	[tilespmem:$0x11900] =	vst v63  }
0x40: {  	s22 =	simm.s32 $0x6100  }
0x41: {  	[tilespmem:s22], [sflag:$0x1] =	stream.indirect_vreg.gather [hbm4b:s6+s18], $0x80, v4, vm0, $0xb8;
	[tilespmem:$0x11900] =	vst v63  }
0x42: {  	s21 =	simm.s32 $0x6900  }
0x43: {  	[tilespmem:s21], [sflag:$0x1] =	stream.indirect_vreg.gather [hbm4b:s2+s18], $0x80, v3, vm0, $0xb8;
	[tilespmem:$0x11900] =	vst v63  }
0x44: {  	s22 =	simm.s32 $0x7100  }
0x45: {  	[tilespmem:s22], [sflag:$0x1] =	stream.indirect_vreg.gather [hbm4b:s6+s18], $0x80, v3, vm0, $0xb8;
	[tilespmem:$0x11900] =	vst v63  }
0x46: {  	v3 =	vld [tilespmem:s19+$0x30];
	_ =	sdelay $0x4  }
0x47: {  	v4 =	vshll.u32 v3, $0x2  }
0x48: {  	v3 =	vand.u32 $0x7, v3;
	v4 =	vand.u32 $0xFFFFFFE0, v4  }
0x49: {  	v3 =	vor.u32 v3, v4  }
0x4a: {  	v4 =	vperm.xlane v3, v0;
	_ =	sdelay $0x1  }
0x4b: {  	v4 =	vadd.s32 v1, v4;
	_ =	sdelay $0x1  }
0x4c: {  	v3 =	vperm.xlane v3, v2;
	_ =	sdelay $0x1  }
0x4d: {  	s21 =	simm.s32 $0x7900;
	v3 =	vadd.s32 v1, v3  }
0x4e: {  	[tilespmem:s21], [sflag:$0x1] =	stream.indirect_vreg.gather [hbm4b:s2+s18], $0x80, v4, vm0, $0xb8;
	[tilespmem:$0x11900] =	vst v63  }
0x4f: {  	_ = 	snop  }
0x50: {  	[tilespmem:s23], [sflag:$0x1] =	stream.indirect_vreg.gather [hbm4b:s6+s18], $0x80, v4, vm0, $0xb8;
	[tilespmem:$0x11900] =	vst v63  }
0x51: {  	_ = 	snop  }
0x52: {  	[tilespmem:s24], [sflag:$0x1] =	stream.indirect_vreg.gather [hbm4b:s2+s18], $0x80, v3, vm0, $0xb8;
	[tilespmem:$0x11900] =	vst v63  }
0x53: {  	_ = 	snop  }
0x54: {  	[tilespmem:s25], [sflag:$0x1] =	stream.indirect_vreg.gather [hbm4b:s6+s18], $0x80, v3, vm0, $0xb8;
	[tilespmem:$0x11900] =	vst v63  }
0x55: {  	v3 =	vld [tilespmem:s19+$0x40];
	_ =	sdelay $0x4  }
0x56: {  	v4 =	vshll.u32 v3, $0x2  }
0x57: {  	v3 =	vand.u32 $0x7, v3;
	v4 =	vand.u32 $0xFFFFFFE0, v4  }
0x58: {  	v3 =	vor.u32 v3, v4  }
0x59: {  	v4 =	vperm.xlane v3, v0;
	_ =	sdelay $0x1  }
0x5a: {  	v4 =	vadd.s32 v1, v4;
	_ =	sdelay $0x1  }
0x5b: {  	v3 =	vperm.xlane v3, v2;
	_ =	sdelay $0x1  }
0x5c: {  	v3 =	vadd.s32 v1, v3  }
0x5d: {  	[tilespmem:s26], [sflag:$0x1] =	stream.indirect_vreg.gather [hbm4b:s2+s18], $0x80, v4, vm0, $0xb8;
	[tilespmem:$0x11900] =	vst v63  }
0x5e: {  	_ = 	snop  }
0x5f: {  	[tilespmem:s28], [sflag:$0x1] =	stream.indirect_vreg.gather [hbm4b:s6+s18], $0x80, v4, vm0, $0xb8;
	[tilespmem:$0x11900] =	vst v63  }
0x60: {  	_ = 	snop  }
0x61: {  	[tilespmem:s29], [sflag:$0x1] =	stream.indirect_vreg.gather [hbm4b:s2+s18], $0x80, v3, vm0, $0xb8;
	[tilespmem:$0x11900] =	vst v63  }
0x62: {  	_ = 	snop  }
0x63: {  	[tilespmem:s30], [sflag:$0x1] =	stream.indirect_vreg.gather [hbm4b:s6+s18], $0x80, v3, vm0, $0xb8;
	[tilespmem:$0x11900] =	vst v63  }
0x64: {  	v3 =	vld [tilespmem:s19+$0x50];
	_ =	sdelay $0x4  }
0x65: {  	v4 =	vshll.u32 v3, $0x2  }
0x66: {  	v3 =	vand.u32 $0x7, v3;
	v4 =	vand.u32 $0xFFFFFFE0, v4  }
0x67: {  	v3 =	vor.u32 v3, v4  }
0x68: {  	v4 =	vperm.xlane v3, v0;
	_ =	sdelay $0x1  }
0x69: {  	v4 =	vadd.s32 v1, v4;
	_ =	sdelay $0x1  }
0x6a: {  	v3 =	vperm.xlane v3, v2;
	_ =	sdelay $0x1  }
0x6b: {  	v3 =	vadd.s32 v1, v3  }
0x6c: {  	[tilespmem:s31], [sflag:$0x1] =	stream.indirect_vreg.gather [hbm4b:s2+s18], $0x80, v4, vm0, $0xb8;
	[tilespmem:$0x11900] =	vst v63  }
0x6d: {  	_ = 	snop  }
0x6e: {  	[tilespmem:s1], [sflag:$0x1] =	stream.indirect_vreg.gather [hbm4b:s6+s18], $0x80, v4, vm0, $0xb8;
	[tilespmem:$0x11900] =	vst v63  }
0x6f: {  	_ = 	snop  }
0x70: {  	[tilespmem:s0], [sflag:$0x1] =	stream.indirect_vreg.gather [hbm4b:s2+s18], $0x80, v3, vm0, $0xb8;
	[tilespmem:$0x11900] =	vst v63  }
0x71: {  	_ = 	snop  }
0x72: {  	[tilespmem:s5], [sflag:$0x1] =	stream.indirect_vreg.gather [hbm4b:s6+s18], $0x80, v3, vm0, $0xb8;
	[tilespmem:$0x11900] =	vst v63  }
0x73: {  	v3 =	vld [tilespmem:s19+$0x60];
	_ =	sdelay $0x4  }
0x74: {  	v4 =	vshll.u32 v3, $0x2  }
0x75: {  	v3 =	vand.u32 $0x7, v3;
	v4 =	vand.u32 $0xFFFFFFE0, v4  }
0x76: {  	v3 =	vor.u32 v3, v4  }
0x77: {  	v4 =	vperm.xlane v3, v0;
	_ =	sdelay $0x1  }
0x78: {  	v4 =	vadd.s32 v1, v4;
	_ =	sdelay $0x1  }
0x79: {  	v3 =	vperm.xlane v3, v2;
	_ =	sdelay $0x1  }
0x7a: {  	v3 =	vadd.s32 v1, v3  }
0x7b: {  	[tilespmem:s8], [sflag:$0x1] =	stream.indirect_vreg.gather [hbm4b:s2+s18], $0x80, v4, vm0, $0xb8;
	[tilespmem:$0x11900] =	vst v63  }
0x7c: {  	_ = 	snop  }
0x7d: {  	[tilespmem:s3], [sflag:$0x1] =	stream.indirect_vreg.gather [hbm4b:s6+s18], $0x80, v4, vm0, $0xb8;
	[tilespmem:$0x11900] =	vst v63  }
0x7e: {  	_ = 	snop  }
0x7f: {  	[tilespmem:s11], [sflag:$0x1] =	stream.indirect_vreg.gather [hbm4b:s2+s18], $0x80, v3, vm0, $0xb8;
	[tilespmem:$0x11900] =	vst v63  }
0x80: {  	_ = 	snop  }
0x81: {  	[tilespmem:s4], [sflag:$0x1] =	stream.indirect_vreg.gather [hbm4b:s6+s18], $0x80, v3, vm0, $0xb8;
	[tilespmem:$0x11900] =	vst v63  }
0x82: {  	v3 =	vld [tilespmem:s19+$0x70];
	_ =	sdelay $0x4  }
0x83: {  	v4 =	vshll.u32 v3, $0x2  }
0x84: {  	v3 =	vand.u32 $0x7, v3;
	v4 =	vand.u32 $0xFFFFFFE0, v4  }
0x85: {  	v3 =	vor.u32 v3, v4  }
0x86: {  	v4 =	vperm.xlane v3, v0;
	_ =	sdelay $0x1  }
0x87: {  	v4 =	vadd.s32 v1, v4;
	_ =	sdelay $0x1  }
0x88: {  	v3 =	vperm.xlane v3, v2;
	_ =	sdelay $0x1  }
0x89: {  	v3 =	vadd.s32 v1, v3  }
0x8a: {  	[tilespmem:s12], [sflag:$0x1] =	stream.indirect_vreg.gather [hbm4b:s2+s18], $0x80, v4, vm0, $0xb8;
	[tilespmem:$0x11900] =	vst v63  }
0x8b: {  	_ = 	snop  }
0x8c: {  	[tilespmem:s13], [sflag:$0x1] =	stream.indirect_vreg.gather [hbm4b:s6+s18], $0x80, v4, vm0, $0xb8;
	[tilespmem:$0x11900] =	vst v63  }
0x8d: {  	_ = 	snop  }
0x8e: {  	[tilespmem:s14], [sflag:$0x1] =	stream.indirect_vreg.gather [hbm4b:s2+s18], $0x80, v3, vm0, $0xb8;
	[tilespmem:$0x11900] =	vst v63  }
0x8f: {  	_ = 	snop  }
0x90: {  	[tilespmem:s15], [sflag:$0x1] =	stream.indirect_vreg.gather [hbm4b:s6+s18], $0x80, v3, vm0, $0xb8;
	[tilespmem:$0x11900] =	vst v63  }
0x91: {  	_ =	swait.ge [sflag:s16], $0x10000  }
0x92: {  	s22 =	sand.u32 $0xF000, s18;
	s18 =	sand.u32 $0x380, s18;
	[sflag:s16] =	ssyncset.done $0x0  }
0x93: {  	s18 =	sor.u32 s18, s22;
	[sflag:s16] =	ssyncadd.s32 $0xFFFF0000  }
0x94: {  	v3 =	vld [tilespmem:s18+$0x1D70]  }
0x95: {  	v4 =	vld [tilespmem:s18+$0x2100]  }
0x96: {  	v5 =	vld [tilespmem:s18+$0x2110]  }
0x97: {  	v6 =	vld [tilespmem:s18+$0x1D60]  }
0x98: {  	v7 =	vld [tilespmem:s18+$0x1D50]  }
0x99: {  	v8 =	vld [tilespmem:s18+$0x2120]  }
0x9a: {  	v9 =	vld [tilespmem:s18+$0x1D40]  }
0x9b: {  	v10 =	vld [tilespmem:s18+$0x2570]  }
0x9c: {  	v11 =	vld [tilespmem:s18+$0x2510]  }
0x9d: {  	v12 =	vld [tilespmem:s18+$0x2550]  }
0x9e: {  	v16 =	vld [tilespmem:s18+$0x2130]  }
0x9f: {  	v17 =	vld [tilespmem:s18+$0x2140]  }
0xa0: {  	v14 =	vld [tilespmem:s18+$0x2500]  }
0xa1: {  	v13 =	vld [tilespmem:s18+$0x2540]  }
0xa2: {  	v15 =	vld [tilespmem:s18+$0x1D30];
	v11 =	vmul.f32 $2.262741660e+01, v11  }
0xa3: {  	v18 =	vld [tilespmem:s18+$0x1D20];
	v10 =	vmul.f32 $2.262741660e+01, v10  }
0xa4: {  	v19 =	vld [tilespmem:s18+$0x1D10];
	v12 =	vmul.f32 $2.262741660e+01, v12;
	[tilespmem:s18+$0x2510] =	vst v11  }
0xa5: {  	v20 =	vld [tilespmem:s18+$0x1960];
	v14 =	vmul.f32 $2.262741660e+01, v14;
	[tilespmem:s18+$0x2570] =	vst v10  }
0xa6: {  	v24 =	vld [tilespmem:s18+$0x1900];
	v11 =	vmul.f32 $2.262741660e+01, v13;
	[tilespmem:s18+$0x2550] =	vst v12  }
0xa7: {  	v15 =	vmul.f32 $2.262741660e+01, v15;
	v10 =	vld [tilespmem:s18+$0x2520];
	[tilespmem:s18+$0x2500] =	vst v14  }
0xa8: {  	v13 =	vld [tilespmem:s18+$0x1D00];
	[tilespmem:s18+$0x2540] =	vst v11;
	v11 =	vmul.f32 $2.262741660e+01, v18  }
0xa9: {  	v12 =	vld [tilespmem:s18+$0x1970];
	[tilespmem:s18+$0x1D30] =	vst v15;
	v18 =	vmul.f32 $2.262741660e+01, v9;
	v9 =	vmul.f32 $2.262741660e+01, v19  }
0xaa: {  	v22 =	vld [tilespmem:s18+$0x2160];
	v21 =	vmul.f32 $2.262741660e+01, v7;
	v20 =	vmul.f32 $2.262741660e+01, v20;
	[tilespmem:s18+$0x1D20] =	vst v11  }
0xab: {  	v23 =	vld [tilespmem:s18+$0x2170];
	v11 =	vmul.f32 $2.262741660e+01, v6;
	[tilespmem:s18+$0x1D10] =	vst v9;
	v9 =	vmul.f32 $2.262741660e+01, v8  }
0xac: {  	[tilespmem:s18+$0x1960] =	vst v20;
	v19 =	vld [tilespmem:s18+$0x2150];
	v8 =	vmul.f32 $2.262741660e+01, v24;
	v7 =	vmul.f32 $2.262741660e+01, v10  }
0xad: {  	v14 =	vld [tilespmem:s18+$0x1910];
	[tilespmem:s18+$0x1D50] =	vst v21;
	v6 =	vmul.f32 $2.262741660e+01, v13;
	v10 =	vmul.f32 $2.262741660e+01, v3  }
0xae: {  	v15 =	vld [tilespmem:s18+$0x1940];
	[tilespmem:s18+$0x1D40] =	vst v18;
	v3 =	vmul.f32 $2.262741660e+01, v12;
	v12 =	vmul.f32 $2.262741660e+01, v4  }
0xaf: {  	v13 =	vmul.f32 $2.262741660e+01, v5;
	v4 =	vmul.f32 $2.262741660e+01, v16;
	v16 =	vld [tilespmem:s18+$0x1920];
	[tilespmem:s18+$0x2520] =	vst v7  }
0xb0: {  	v5 =	vmul.f32 $2.262741660e+01, v22;
	[tilespmem:s18+$0x1D00] =	vst v6;
	v7 =	vmul.f32 $2.262741660e+01, v17;
	v17 =	vld [tilespmem:s18+$0x1930]  }
0xb1: {  	s20 =	simm.s32 $0x80;
	s19 =	simm.s32 $0x200;
	v18 =	vld [tilespmem:s18+$0x2530];
	[tilespmem:s18+$0x1970] =	vst v3;
	v6 =	vmul.f32 $2.262741660e+01, v19;
	v3 =	vmul.f32 $2.262741660e+01, v23  }
.LBB2_3:
0xb2: {  	s21 =	sand.u32 $0xF000, s19;
	s22 =	sand.u32 $0x380, s20;
	v14 =	vmul.f32 $2.262741660e+01, v14;
	[tilespmem:s18+$0x1D60] =	vst v11;
	v11 =	vld [tilespmem:s18+$0x2560]  }
0xb3: {  	p0 =	sne.s32 s19, $0xFE00;
	s19 =	sadd.s32 $0x200, s19;
	s21 =	sor.u32 s22, s21;
	v15 =	vmul.f32 $2.262741660e+01, v15;
	v19 =	vld [tilespmem:s18+$0x1950];
	[tilespmem:s18+$0x1D70] =	vst v10  }
0xb4: {  	v10 =	vld [tilespmem:s21+$0x1D70];
	v16 =	vmul.f32 $2.262741660e+01, v16;
	[tilespmem:s18+$0x2100] =	vst v12  }
0xb5: {  	v12 =	vld [tilespmem:s21+$0x2100];
	v17 =	vmul.f32 $2.262741660e+01, v17;
	[tilespmem:s18+$0x2110] =	vst v13  }
0xb6: {  	v13 =	vld [tilespmem:s21+$0x2110];
	[tilespmem:s18+$0x1920] =	vst v16;
	v16 =	vmul.f32 $2.262741660e+01, v18  }
0xb7: {  	v18 =	vld [tilespmem:s21+$0x1D60];
	[tilespmem:s18+$0x1930] =	vst v17;
	v11 =	vmul.f32 $2.262741660e+01, v11  }
0xb8: {  	v17 =	vld [tilespmem:s21+$0x1D50];
	v19 =	vmul.f32 $2.262741660e+01, v19;
	[tilespmem:s18+$0x2120] =	vst v9  }
0xb9: {  	v9 =	vld [tilespmem:s21+$0x2120];
	[tilespmem:s18+$0x2530] =	vst v16  }
0xba: {  	v16 =	vld [tilespmem:s21+$0x1D40];
	[tilespmem:s18+$0x1950] =	vst v19  }
0xbb: {  	v19 =	vld [tilespmem:s21+$0x2570];
	[tilespmem:s18+$0x1940] =	vst v15  }
0xbc: {  	v15 =	vld [tilespmem:s21+$0x2510];
	[tilespmem:s18+$0x2560] =	vst v11  }
0xbd: {  	v11 =	vld [tilespmem:s21+$0x2550];
	[tilespmem:s18+$0x2130] =	vst v4  }
0xbe: {  	v4 =	vld [tilespmem:s21+$0x2130];
	[tilespmem:s18+$0x2140] =	vst v7  }
0xbf: {  	v7 =	vld [tilespmem:s21+$0x2140];
	[tilespmem:s18+$0x1910] =	vst v14  }
0xc0: {  	v14 =	vld [tilespmem:s21+$0x2540];
	[tilespmem:s18+$0x2150] =	vst v6  }
0xc1: {  	v19 =	vmul.f32 $2.262741660e+01, v19;
	v6 =	vld [tilespmem:s21+$0x2500];
	[tilespmem:s18+$0x2160] =	vst v5  }
0xc2: {  	v5 =	vld [tilespmem:s21+$0x1D30];
	[tilespmem:s18+$0x1900] =	vst v8  }
0xc3: {  	v15 =	vmul.f32 $2.262741660e+01, v15;
	v8 =	vld [tilespmem:s21+$0x1D20];
	[tilespmem:s18+$0x2170] =	vst v3;
	s18 =	smov.u32 s21  }
0xc4: {  	v11 =	vmul.f32 $2.262741660e+01, v11;
	v3 =	vld [tilespmem:s18+$0x1D10];
	[tilespmem:s18+$0x2570] =	vst v19  }
0xc5: {  	v19 =	vmul.f32 $2.262741660e+01, v16;
	[tilespmem:s18+$0x2510] =	vst v15;
	v15 =	vld [tilespmem:s18+$0x2520];
	v14 =	vmul.f32 $2.262741660e+01, v14  }
0xc6: {  	v20 =	vmul.f32 $2.262741660e+01, v17;
	v16 =	vld [tilespmem:s18+$0x1D00];
	v6 =	vmul.f32 $2.262741660e+01, v6;
	[tilespmem:s18+$0x2550] =	vst v11  }
0xc7: {  	v11 =	vmul.f32 $2.262741660e+01, v18;
	v17 =	vld [tilespmem:s18+$0x1970];
	v5 =	vmul.f32 $2.262741660e+01, v5;
	[tilespmem:s18+$0x2540] =	vst v14  }
0xc8: {  	v10 =	vmul.f32 $2.262741660e+01, v10;
	v18 =	vld [tilespmem:s18+$0x1960];
	v8 =	vmul.f32 $2.262741660e+01, v8;
	[tilespmem:s18+$0x2500] =	vst v6  }
0xc9: {  	v12 =	vmul.f32 $2.262741660e+01, v12;
	v3 =	vmul.f32 $2.262741660e+01, v3;
	[tilespmem:s18+$0x1D30] =	vst v5;
	v5 =	vld [tilespmem:s18+$0x2150]  }
0xca: {  	v13 =	vmul.f32 $2.262741660e+01, v13;
	[tilespmem:s18+$0x1D20] =	vst v8;
	v8 =	vld [tilespmem:s18+$0x2160];
	v6 =	vmul.f32 $2.262741660e+01, v15  }
0xcb: {  	v9 =	vmul.f32 $2.262741660e+01, v9;
	v15 =	vmul.f32 $2.262741660e+01, v16;
	[tilespmem:s18+$0x1D10] =	vst v3;
	v3 =	vld [tilespmem:s18+$0x2170]  }
0xcc: {  	v4 =	vmul.f32 $2.262741660e+01, v4;
	v21 =	vld [tilespmem:s18+$0x1900];
	v16 =	vmul.f32 $2.262741660e+01, v17;
	[tilespmem:s18+$0x2520] =	vst v6  }
.Ltmp0:
0xcd: {  	v7 =	vmul.f32 $2.262741660e+01, v7;
	v14 =	vld [tilespmem:s18+$0x1910];
	v17 =	vmul.f32 $2.262741660e+01, v18;
	[tilespmem:s18+$0x1D00] =	vst v15;
	(pc) =	sbr.rel @p0 .LBB2_3-.Ltmp0, $4  }
0xce: {  	v15 =	vld [tilespmem:s18+$0x1940];
	[tilespmem:s18+$0x1970] =	vst v16;
	v6 =	vmul.f32 $2.262741660e+01, v5  }
0xcf: {  	v16 =	vld [tilespmem:s18+$0x1920];
	[tilespmem:s18+$0x1960] =	vst v17;
	v5 =	vmul.f32 $2.262741660e+01, v8  }
0xd0: {  	v17 =	vld [tilespmem:s18+$0x1930];
	[tilespmem:s18+$0x1D40] =	vst v19;
	v3 =	vmul.f32 $2.262741660e+01, v3  }
0xd1: {  	s20 =	sadd.s32 $0x80, s20;
	v8 =	vmul.f32 $2.262741660e+01, v21;
	[tilespmem:s18+$0x1D50] =	vst v20;
	v18 =	vld [tilespmem:s18+$0x2530]  }
0xd2: {  	[tilespmem:s18+$0x1D60] =	vst v11  }
0xd3: {  	[tilespmem:s18+$0x1D70] =	vst v10  }
0xd4: {  	[tilespmem:s18+$0x2100] =	vst v12  }
0xd5: {  	[tilespmem:s18+$0x2110] =	vst v13  }
0xd6: {  	[tilespmem:s18+$0x2120] =	vst v9  }
0xd7: {  	[tilespmem:s18+$0x2130] =	vst v4  }
0xd8: {  	[tilespmem:s18+$0x2140] =	vst v7  }
0xd9: {  	[tilespmem:s18+$0x2150] =	vst v6  }
0xda: {  	[tilespmem:s18+$0x2160] =	vst v5  }
0xdb: {  	v56 =	vld [tilespmem:s18+$0x1950];
	v63 =	vmul.f32 $2.262741660e+01, v14;
	[tilespmem:s18+$0x2170] =	vst v3  }
0xdc: {  	v58 =	vld [tilespmem:s18+$0x2560];
	v61 =	vmul.f32 $2.262741660e+01, v15;
	[tilespmem:s18+$0x1900] =	vst v8  }
0xdd: {  	v57 =	vmul.f32 $2.262741660e+01, v16;
	[tilespmem:s18+$0x1910] =	vst v63  }
0xde: {  	v59 =	vmul.f32 $2.262741660e+01, v17;
	[tilespmem:s18+$0x1940] =	vst v61  }
0xdf: {  	[tilespmem:s18+$0x1920] =	vst v57;
	v60 =	vmul.f32 $2.262741660e+01, v18  }
0xe0: {  	s19 =	sshll.u32 s17, $0x10;
	[tilespmem:s18+$0x1930] =	vst v59;
	v11 =	vmul.f32 $2.262741660e+01, v56  }
0xe1: {  	s17 =	sadd.s32 $0x1, s17;
	s19 =	sadd.s32 s7, s19;
	v62 =	vmul.f32 $2.262741660e+01, v58;
	[tilespmem:s18+$0x2530] =	vst v60  }
0xe2: {  	s21 =	rddreg [dreg:$0x2];
	p0 =	sne.s32 s17, $0x32;
	s19 =	sshrl.u32 s19, $0x3;
	[tilespmem:s18+$0x1950] =	vst v11  }
.Ltmp1:
0xe3: {  	s22 =	simm.s32 $0x0;
	[tilespmem:s18+$0x2560] =	vst v62;
	s18 =	sadd.s32 s21, s19;
	(pc) =	sbr.rel @p0 .LBB2_2-.Ltmp1, $4  }
0xe4: {  	[hbm4b:s18+s22] =	stream.linear.scatter [tilespmem:s10], [sflag:$0x2], $0x10000, $0x38;
	[tilespmem:$0x11900] =	vst v63  }
0xe5: {  	_ =	swait.ge [sflag:s9], $0x10000  }
0xe6: {  	[sflag:s9] =	ssyncset.done $0x0  }
0xe7: {  	[sflag:s9] =	ssyncadd.s32 $0xFFFF0000  }
0xe8: {  	s18 =	rddreg [dreg:$0x6]  }
0xe9: {  	s17 =	rddreg [dreg:$0x5];
	s18 =	sadd.s32 $0x1, s18  }
0xea: {  	p0 =	sne.s32 s18, s17  }
.Ltmp2:
0xeb: {  	_ = 	snop;
	(pc) =	sbr.rel @p0 .LBB2_1-.Ltmp2, $1  }
0xec: {  	_ =	sdelay $0x3  }
0xed: {  	_ =	sfence.sel $0x180000  }
0xee: {  	[bflag:$0x0] =	sbarrier.arrive $0xFFFF  }
0xef: {  	_ =	strace $0x90000047  }
0xf0: {  	s0 =	stileid.u32;
	[bflag:$0x2] =	sbarrier.arrive $0xFFFF  }
0xf1: {  	p0 =	sne.s32 s0, $0x0;
	s0 =	rddreg [dreg:$0x3]  }
0xf2: {  	s0 =	sadd.s32 @!p0 $0x100000, s0  }
0xf3: {  	[sflag:s0] =	ssyncadd.tile.s32 @!p0 $0x1;
	_ =	shalt  }
.Lfunc_end2:
_tile_overlayer_lowered:
.L_overlay_start_2:
0xf4: {  	(tag) =	ssettag $0x2  }
0xf5: {  	s0 =	rddreg [dreg:$0x0];
	s2 =	stileid.u32  }
0xf6: {  	s1 =	rddreg [dreg:$0x1];
	p0 =	sne.s32 s2, $0x0  }
0xf7: {  	s3 =	rddreg [dreg:$0x2];
	[bflag:$0x3] =	sbarrier.arrive $0xFFFF;
	s2 =	simm.s32 @!p0 $0x1C02  }
0xf8: {  	[timem:s3], [sflag:s2] =	dma.local @!p0 [hbm:s0], s1  }
0xf9: {  	s0 =	simm.s32 @!p0 $0x2  }
0xfa: {  	_ =	swait.ge @!p0 [sflag:s0], s1  }
0xfb: {  	s1 =	ssub.s32 @!p0 $0x0, s1;
	[sflag:s0] =	ssyncset.done @!p0 $0x0  }
0xfc: {  	[sflag:s0] =	ssyncadd.s32 @!p0 s1  }
0xfd: {  	[bflag:$0x3] =	sbarrier.arrive $0xFFFF  }
0xfe: {  	_ =	shalt  }

</sc_bundles>
